<compile_context>
chip_gen: v7x
topology: tpu7x:2x2x1
jax: 0.10.2.dev20260603
libtpu: 0.0.44.dev20260713+nightly
codegen_flags: <defaults>
</compile_context>

<pallas_src>
import dataclasses
import functools

import jax
import jax.numpy as jnp
from jax import lax
from jax.experimental import pallas as pl
from jax.experimental.pallas import tpu as pltpu
from jax.experimental.pallas import tpu_sc as plsc

N_NODES = 10000
D_IN = 128
D_OUT = 256
E = 160000
N_CLS = 1000

NC, NS, LANES = 2, 16, 16
NW = NC * NS
ECH = 96
ENCH = 53
EPAD = NW * ENCH * ECH
NACC = 10240
ROWS_PER_SUB = NACC // NS
ZR = 64

CH = 128
C_CODES = 16 * 64 * 32
CODE_NCH = C_CODES // (NW * CH)

@functools.cache
def _vector_mesh():
    return plsc.VectorSubcoreMesh(core_axis_name="c", subcore_axis_name="s",
                                  num_cores=NC, num_subcores=NS)


_sc_params = pltpu.CompilerParams()
if "needs_layout_passes" in pltpu.CompilerParams.__dataclass_fields__:
    _sc_params = dataclasses.replace(_sc_params, needs_layout_passes=False)


def _wid():
    return lax.axis_index("s") * NC + lax.axis_index("c")


def _zero_acc(zeros_v, acc):
    z = jnp.zeros((LANES,), jnp.float32)

    @pl.loop(0, ZR)
    def _(r):
        for f in range(8):
            zeros_v[r, pl.ds(16 * f, 16)] = z

    s = lax.axis_index("s")

    @pl.loop(0, ROWS_PER_SUB // ZR)
    def _(k):
        pltpu.sync_copy(zeros_v.at[pl.ds(0, ZR)],
                        acc.at[pl.ds(s * ROWS_PER_SUB + k * ZR, ZR)])


def _scale_rows(rows_v, w_v, c):
    c16 = jnp.broadcast_to(c, (LANES,))

    @plsc.parallel_loop(0, ECH, 1, unroll=4)
    def _(i):
        wreg = plsc.load_gather(w_v, [c16, jnp.broadcast_to(i, (LANES,))])
        for f in range(8):
            sl = (i, pl.ds(16 * f, 16))
            rows_v[sl] = rows_v[sl] * wreg


def _segsum_body(table, srcp, dstp, wp, out0, out1,
                 src_v, dst_v, w_v, rows_a, rows_b, sem_a, sem_b,
                 acc):
    wid = _wid()
    core = lax.axis_index("c")
    s = lax.axis_index("s")

    _zero_acc(rows_a, acc)
    pltpu.sync_copy(srcp.at[wid], src_v)
    pltpu.sync_copy(dstp.at[wid], dst_v)
    pltpu.sync_copy(wp.at[wid], w_v)
    plsc.subcore_barrier()

    pltpu.async_copy(table.at[src_v.at[0]], rows_a, sem_a)

    @pl.loop(0, ENCH // 2)
    def _(k):
        c0 = 2 * k
        pltpu.async_copy(table.at[src_v.at[c0 + 1]], rows_b, sem_b)
        pltpu.make_async_copy(table.at[src_v.at[c0]], rows_a, sem_a).wait()
        _scale_rows(rows_a, w_v, c0)
        pltpu.sync_copy(rows_a, acc.at[dst_v.at[c0]], add=True)
        pltpu.async_copy(table.at[src_v.at[c0 + 2]], rows_a, sem_a)
        pltpu.make_async_copy(table.at[src_v.at[c0 + 1]], rows_b, sem_b).wait()
        _scale_rows(rows_b, w_v, c0 + 1)
        pltpu.sync_copy(rows_b, acc.at[dst_v.at[c0 + 1]], add=True)

    pltpu.make_async_copy(table.at[src_v.at[ENCH - 1]], rows_a, sem_a).wait()
    _scale_rows(rows_a, w_v, ENCH - 1)
    pltpu.sync_copy(rows_a, acc.at[dst_v.at[ENCH - 1]], add=True)

    plsc.subcore_barrier()

    out = [out0, out1]

    @pl.loop(0, ROWS_PER_SUB // ZR)
    def _(k):
        rs = pl.ds(s * ROWS_PER_SUB + k * ZR, ZR)
        for ci in range(NC):
            @pl.when(core == ci)
            def _():
                pltpu.sync_copy(acc.at[rs], out[ci].at[rs])


@jax.jit
def _sc_segsum(table, srcp, dstp, wp):
    f32 = jnp.float32
    k = pl.kernel(
        _segsum_body,
        out_type=(jax.ShapeDtypeStruct((NACC, D_IN), f32),
                  jax.ShapeDtypeStruct((NACC, D_IN), f32)),
        mesh=_vector_mesh(),
        scratch_types=[
            pltpu.VMEM((ENCH, ECH), jnp.int32),
            pltpu.VMEM((ENCH, ECH), jnp.int32),
            pltpu.VMEM((ENCH, ECH), f32),
            pltpu.VMEM((ECH, D_IN), f32),
            pltpu.VMEM((ECH, D_IN), f32),
            pltpu.SemaphoreType.DMA,
            pltpu.SemaphoreType.DMA,
            pltpu.VMEM_SHARED((NACC, D_IN), f32),
        ],
        compiler_params=_sc_params,
    )
    return k(table, srcp, dstp, wp)


def _code_gather_body(tab, codes, g, idx_v, rows_a, rows_b, sem_a, sem_b):
    wid = _wid()
    base = wid * (CODE_NCH * CH)
    pltpu.sync_copy(codes.at[wid], idx_v)
    pltpu.async_copy(tab.at[idx_v.at[0]], rows_a, sem_a)

    @pl.loop(0, CODE_NCH // 2)
    def _(k):
        c0 = 2 * k
        pltpu.async_copy(tab.at[idx_v.at[c0 + 1]], rows_b, sem_b)
        pltpu.make_async_copy(tab.at[idx_v.at[c0]], rows_a, sem_a).wait()
        pltpu.sync_copy(rows_a, g.at[pl.ds(base + c0 * CH, CH)])

        @pl.when(k < CODE_NCH // 2 - 1)
        def _():
            pltpu.async_copy(tab.at[idx_v.at[c0 + 2]], rows_a, sem_a)

        pltpu.make_async_copy(tab.at[idx_v.at[c0 + 1]], rows_b, sem_b).wait()
        pltpu.sync_copy(rows_b, g.at[pl.ds(base + (c0 + 1) * CH, CH)])


@jax.jit
def _sc_code_gather(tab, codes):
    f32 = jnp.float32
    k = pl.kernel(
        _code_gather_body,
        out_type=jax.ShapeDtypeStruct((C_CODES, D_IN), f32),
        mesh=_vector_mesh(),
        scratch_types=[
            pltpu.VMEM((CODE_NCH, CH), jnp.int32),
            pltpu.VMEM((CH, D_IN), f32),
            pltpu.VMEM((CH, D_IN), f32),
            pltpu.SemaphoreType.DMA,
            pltpu.SemaphoreType.DMA,
        ],
        compiler_params=_sc_params,
    )
    return k(tab, codes)



def _mm2_relu_body(a_ref, b_ref, w_ref, bias_ref, o_ref):
    acc = jnp.dot(a_ref[...] + b_ref[...], w_ref[...],
                  preferred_element_type=jnp.float32)
    o_ref[...] = jnp.maximum(acc + bias_ref[...], 0.0)


def _mm2_relu(a, b, w, bias, blk):
    n, d = a.shape
    dout = w.shape[1]
    grid = pl.cdiv(n, blk)
    return pl.pallas_call(
        _mm2_relu_body,
        grid=(grid,),
        in_specs=[
            pl.BlockSpec((blk, d), lambda i: (i, 0)),
            pl.BlockSpec((blk, d), lambda i: (i, 0)),
            pl.BlockSpec((d, dout), lambda i: (0, 0)),
            pl.BlockSpec((1, dout), lambda i: (0, 0)),
        ],
        out_specs=pl.BlockSpec((blk, dout), lambda i: (i, 0)),
        out_shape=jax.ShapeDtypeStruct((n, dout), jnp.float32),
    )(a, b, w, bias.reshape(1, -1))


CB = 4096


def _code_attn_body(g_ref, w2_ref, b2_ref, ac_ref, cf_ref, o_ref):
    f32 = jnp.float32
    g = g_ref[...]
    zT = lax.dot_general(w2_ref[...], g, (((0,), (1,)), ((), ())),
                         preferred_element_type=f32)
    ones = jnp.ones((1, CB), f32)
    biasT = lax.dot_general(b2_ref[...], ones, (((0,), (0,)), ((), ())),
                            preferred_element_type=f32)
    ceT = jnp.maximum(zT + biasT, 0.0)
    s = jnp.dot(ac_ref[...], ceT, preferred_element_type=f32)
    mask = cf_ref[0] > 0.0
    es = jnp.where(mask, jnp.exp(s), 0.0)
    r = lax.broadcasted_iota(jnp.int32, (CB, 128), 0)
    v = lax.broadcasted_iota(jnp.int32, (CB, 128), 1)
    bd = ((r // 32) == v).astype(f32)
    num = jnp.dot(ceT * es, bd, preferred_element_type=f32)
    den = jnp.dot(es, bd, preferred_element_type=f32)
    o_ref[...] = num / jnp.maximum(den, 1e-30)


def _visit_attn_decoder_body(vt_ref, vm_ref, av_ref, w1_ref, b1_ref,
                             w2_ref, b2_ref, w3_ref, b3_ref, out_ref):
    f32 = jnp.float32
    vT = vt_ref[...]
    vs = jnp.dot(av_ref[...], vT, preferred_element_type=f32)
    es = jnp.where(vm_ref[...] > 0.0, jnp.exp(vs), 0.0)
    r = lax.broadcasted_iota(jnp.int32, (1024, 16), 0)
    b = lax.broadcasted_iota(jnp.int32, (1024, 16), 1)
    bd = ((r // 64) == b).astype(f32)
    num = jnp.dot(vT * es, bd, preferred_element_type=f32)
    den = jnp.dot(es, bd, preferred_element_type=f32)
    pT = num / jnp.maximum(den, 1e-30)
    i = lax.broadcasted_iota(jnp.int32, (16, 16), 0)
    j = lax.broadcasted_iota(jnp.int32, (16, 16), 1)
    eye = (i == j).astype(f32)
    pe = lax.dot_general(eye, pT, (((1,), (1,)), ((), ())),
                         preferred_element_type=f32)
    h1 = jnp.maximum(
        jnp.dot(pe, w1_ref[...], preferred_element_type=f32) + b1_ref[...],
        0.0)
    h2 = jnp.maximum(
        jnp.dot(h1, w2_ref[...], preferred_element_type=f32) + b2_ref[...],
        0.0)
    out_ref[...] = (
        jnp.dot(h2, w3_ref[...], preferred_element_type=f32) + b3_ref[...])


def kernel(edge_index, edge_weight, codes_x, node_emb, gcn_W1, gcn_b1,
           gcn_W2, gcn_b2, attn_code, attn_visit, dec_W1, dec_b1,
           dec_W2, dec_b2, dec_W3, dec_b3):
    f32 = jnp.float32
    pad = EPAD - E
    spread = (jnp.arange(pad, dtype=jnp.int32) * 131) % N_NODES
    srcp = jnp.concatenate([edge_index[0], spread]).reshape(NW, ENCH, ECH)
    dstp = jnp.concatenate([edge_index[1], spread]).reshape(NW, ENCH, ECH)
    wp = jnp.concatenate([edge_weight, jnp.zeros((pad,), f32)]
                         ).reshape(NW, ENCH, ECH)

    p10, p11 = _sc_segsum(node_emb, srcp, dstp, wp)
    h = _mm2_relu(p10, p11, gcn_W1, gcn_b1, 2048)

    p20, p21 = _sc_segsum(h, srcp, dstp, wp)
    a2 = p20 + p21

    codes = codes_x.reshape(NW, CODE_NCH, CH)
    g = _sc_code_gather(a2, codes)

    codesf = codes_x.astype(f32).reshape(C_CODES // CB, 1, CB)
    visit_T = pl.pallas_call(
        _code_attn_body,
        grid=(C_CODES // CB,),
        in_specs=[
            pl.BlockSpec((CB, D_IN), lambda i: (i, 0)),
            pl.BlockSpec((D_IN, D_OUT), lambda i: (0, 0)),
            pl.BlockSpec((1, D_OUT), lambda i: (0, 0)),
            pl.BlockSpec((1, D_OUT), lambda i: (0, 0)),
            pl.BlockSpec((1, 1, CB), lambda i: (i, 0, 0)),
        ],
        out_specs=pl.BlockSpec((D_OUT, CB // 32), lambda i: (0, i)),
        out_shape=jax.ShapeDtypeStruct((D_OUT, 1024), f32),
    )(g, gcn_W2, gcn_b2.reshape(1, -1), attn_code, codesf)

    vmask = jnp.any(codes_x > 0, axis=-1).astype(f32).reshape(1, 1024)
    w3p = jnp.zeros((dec_W3.shape[0], 1024), f32).at[:, :N_CLS].set(dec_W3)
    b3p = jnp.zeros((1, 1024), f32).at[0, :N_CLS].set(dec_b3)
    out = pl.pallas_call(
        _visit_attn_decoder_body,
        out_shape=jax.ShapeDtypeStruct((16, 1024), f32),
    )(visit_T, vmask, attn_visit, dec_W1, dec_b1.reshape(1, -1), dec_W2,
      dec_b2.reshape(1, -1), w3p, b3p)
    return out[:, :N_CLS]

# --- scband reference (transcript-rebuilt; emitter-appended) ---
"""Pipeline reference for scband-dual-mar-59468117180439 (READ-ONLY COPY).

The authoritative reference and input builder live on the scoring server;
editing this copy changes nothing except your own understanding.
"""

import jax, jax.numpy as jnp
import numpy as np

N_NODES = 10000
D_IN = 128
D_HID = 128
D_OUT = 256
E = 160000
B, V, C = 16, 64, 32
DEC_H1, DEC_H2, N_CLS = 512, 256, 1000


def setup_inputs(seed: int = 0) -> dict:
    key = jax.random.key(seed)
    ks = jax.random.split(key, 20)
    s = 0.02
    return {
        "edge_index": jax.random.randint(ks[0], (2, E), 0, N_NODES, dtype=jnp.int32),
        "edge_weight": jax.random.uniform(ks[1], (E,), dtype=jnp.float32),
        "codes_x": jax.random.randint(ks[2], (B, V, C), 0, N_NODES, dtype=jnp.int32),
        "node_emb": jax.random.normal(ks[3], (N_NODES, D_IN), dtype=jnp.float32) * s,
        "gcn_W1": jax.random.normal(ks[4], (D_IN, D_HID), dtype=jnp.float32) * s,
        "gcn_b1": jnp.zeros((D_HID,), dtype=jnp.float32),
        "gcn_W2": jax.random.normal(ks[5], (D_HID, D_OUT), dtype=jnp.float32) * s,
        "gcn_b2": jnp.zeros((D_OUT,), dtype=jnp.float32),
        "attn_code": jax.random.normal(ks[6], (1, D_OUT), dtype=jnp.float32) * s,
        "attn_visit": jax.random.normal(ks[7], (1, D_OUT), dtype=jnp.float32) * s,
        "dec_W1": jax.random.normal(ks[8], (D_OUT, DEC_H1), dtype=jnp.float32) * s,
        "dec_b1": jnp.zeros((DEC_H1,), dtype=jnp.float32),
        "dec_W2": jax.random.normal(ks[9], (DEC_H1, DEC_H2), dtype=jnp.float32) * s,
        "dec_b2": jnp.zeros((DEC_H2,), dtype=jnp.float32),
        "dec_W3": jax.random.normal(ks[10], (DEC_H2, N_CLS), dtype=jnp.float32) * s,
        "dec_b3": jnp.zeros((N_CLS,), dtype=jnp.float32),
    }


def _masked_softmax(scores, mask, axis):
    neg = jnp.where(mask, scores, jnp.full_like(scores, -1e9))
    w = jax.nn.softmax(neg, axis=axis)
    return w * mask.astype(scores.dtype)


def _forward(node_emb, gcn_W1, gcn_b1, gcn_W2, gcn_b2, attn_code, attn_visit,
             dec_W1, dec_b1, dec_W2, dec_b2, dec_W3, dec_b3,
             edge_weight, edge_index, codes_x):
    # GCNLayer: 2-layer weighted message passing over the code ontology graph
    src, dst = edge_index[0], edge_index[1]
    msg = node_emb[src] * edge_weight[:, None]
    agg = jax.ops.segment_sum(msg, dst, num_segments=N_NODES)
    h = jax.nn.relu(agg @ gcn_W1 + gcn_b1)
    msg2 = h[src] * edge_weight[:, None]
    agg2 = jax.ops.segment_sum(msg2, dst, num_segments=N_NODES)
    embeddings = jax.nn.relu(agg2 @ gcn_W2 + gcn_b2)  # [N_NODES, D_OUT]

    # ragged per-visit code gather + AttentionLayer pooling (vectorized form of
    # the per-patient/per-visit python loops; padding index 0 is masked out,
    # which matches visit_codes[visit_codes > 0])
    code_mask = codes_x > 0                      # [B, V, C]
    code_emb = embeddings[codes_x]               # [B, V, C, D]
    c_scores = jnp.einsum('bvcd,d->bvc', code_emb, attn_code[0])
    c_w = _masked_softmax(c_scores, code_mask, axis=-1)
    visit_emb = jnp.einsum('bvc,bvcd->bvd', c_w, code_emb)  # [B, V, D]

    # visit-level AttentionLayer over non-empty visits; all-empty patient -> zeros
    visit_mask = jnp.any(code_mask, axis=-1)     # [B, V]
    v_scores = jnp.einsum('bvd,d->bv', visit_emb, attn_visit[0])
    v_w = _masked_softmax(v_scores, visit_mask, axis=-1)
    patient_emb = jnp.einsum('bv,bvd->bd', v_w, visit_emb)  # [B, D]

    # Decoder (classifier, train_type='direct'); dropout is identity at eval
    h1 = jax.nn.relu(patient_emb @ dec_W1 + dec_b1)
    h2 = jax.nn.relu(h1 @ dec_W2 + dec_b2)
    return h2 @ dec_W3 + dec_b3                  # [B, N_CLS]


def reference(edge_index, edge_weight, codes_x, node_emb, gcn_W1, gcn_b1,
              gcn_W2, gcn_b2, attn_code, attn_visit, dec_W1, dec_b1,
              dec_W2, dec_b2, dec_W3, dec_b3):
    return _forward(node_emb, gcn_W1, gcn_b1, gcn_W2, gcn_b2, attn_code,
                    attn_visit, dec_W1, dec_b1, dec_W2, dec_b2, dec_W3,
                    dec_b3, edge_weight, edge_index, codes_x)

if __name__ == "__main__":
    import jax
    _d = setup_inputs()
    print(jax.jit(kernel)(*tuple(_d.values())))

</pallas_src>

<mosaic_0001>
#map = affine_map<(d0, d1) -> (0, 0)>
#map1 = affine_map<(d0, d1) -> (0, 0, 0)>
module attributes {stable_mosaic.version = 14 : i64} {
  func.func @_segsum_body(%arg0: i32, %arg1: i32, %arg2: memref<10000x128xf32, #tpu.memory_space<hbm>>, %arg3: memref<32x53x96xi32, #tpu.memory_space<hbm>>, %arg4: memref<32x53x96xi32, #tpu.memory_space<hbm>>, %arg5: memref<32x53x96xf32, #tpu.memory_space<hbm>>, %arg6: memref<10240x128xf32, #tpu.memory_space<hbm>>, %arg7: memref<10240x128xf32, #tpu.memory_space<hbm>>, %arg8: memref<53x96xi32, #tpu.memory_space<vmem>>, %arg9: memref<53x96xi32, #tpu.memory_space<vmem>>, %arg10: memref<53x96xf32, #tpu.memory_space<vmem>>, %arg11: memref<96x128xf32, #tpu.memory_space<vmem>>, %arg12: memref<96x128xf32, #tpu.memory_space<vmem>>, %arg13: memref<!tpu.dma_semaphore, #tpu.memory_space<semaphore_mem>>, %arg14: memref<!tpu.dma_semaphore, #tpu.memory_space<semaphore_mem>>, %arg15: memref<10240x128xf32, #tpu.memory_space<vmem_shared>>) attributes {dimension_semantics = [#tpu.dimension_semantics<core_parallel>, #tpu.dimension_semantics<subcore_parallel>], iteration_bounds = array<i64: 2, 16>, scalar_prefetch = 0 : i64, scratch_operands = 8 : i64, tpu.core_type = #tpu.core_type<sc_vector_subcore>, window_params = [{transform_indices = #map}, {transform_indices = #map1}, {transform_indices = #map1}, {transform_indices = #map1}, {transform_indices = #map}, {transform_indices = #map}]} {
    %mul3A = arith.constant 2 : i32
    %mul3A_0 = arith.muli %arg1, %mul3A : i32
    %add3A = arith.addi %mul3A_0, %arg0 : i32
    %broadcast_in_dim3A = arith.constant 0.000000e+00 : f32
    %broadcast_in_dim3A_1 = vector.broadcast %broadcast_in_dim3A : f32 to vector<16xf32>
    %scan3A = arith.constant 0 : i32
    %scan3A_2 = arith.constant 64 : i32
    %scan3A_3 = arith.addi %scan3A, %scan3A_2 : i32
    %scan3A_4 = arith.constant 1 : i32
    scf.for %scan3A_38 = %scan3A to %scan3A_3 step %scan3A_4  : i32 {
      %mul3A_39 = arith.constant 1 : i32
      %mul3A_40 = arith.muli %scan3A_38, %mul3A_39 : i32
      %add3A_41 = arith.constant 0 : i32
      %add3A_42 = arith.addi %add3A_41, %mul3A_40 : i32
      %swap3A = arith.index_cast %add3A_42 : i32 to index
      %swap3A_43 = arith.constant 0 : index
      %swap3A_44 = tpu.vector_load %arg11[%swap3A, %swap3A_43] {strides = array<i32>} : memref<96x128xf32, #tpu.memory_space<vmem>>, vector<16xf32>,
      tpu.vector_store %arg11[%swap3A, %swap3A_43], %broadcast_in_dim3A_1 {strides = array<i32>} : memref<96x128xf32, #tpu.memory_space<vmem>>, vector<16xf32>,
      %swap3A_45 = arith.index_cast %add3A_42 : i32 to index
      %swap3A_46 = arith.constant 16 : index
      %swap3A_47 = tpu.vector_load %arg11[%swap3A_45, %swap3A_46] {strides = array<i32>} : memref<96x128xf32, #tpu.memory_space<vmem>>, vector<16xf32>,
      tpu.vector_store %arg11[%swap3A_45, %swap3A_46], %broadcast_in_dim3A_1 {strides = array<i32>} : memref<96x128xf32, #tpu.memory_space<vmem>>, vector<16xf32>,
      %swap3A_48 = arith.index_cast %add3A_42 : i32 to index
      %swap3A_49 = arith.constant 32 : index
      %swap3A_50 = tpu.vector_load %arg11[%swap3A_48, %swap3A_49] {strides = array<i32>} : memref<96x128xf32, #tpu.memory_space<vmem>>, vector<16xf32>,
      tpu.vector_store %arg11[%swap3A_48, %swap3A_49], %broadcast_in_dim3A_1 {strides = array<i32>} : memref<96x128xf32, #tpu.memory_space<vmem>>, vector<16xf32>,
      %swap3A_51 = arith.index_cast %add3A_42 : i32 to index
      %swap3A_52 = arith.constant 48 : index
      %swap3A_53 = tpu.vector_load %arg11[%swap3A_51, %swap3A_52] {strides = array<i32>} : memref<96x128xf32, #tpu.memory_space<vmem>>, vector<16xf32>,
      tpu.vector_store %arg11[%swap3A_51, %swap3A_52], %broadcast_in_dim3A_1 {strides = array<i32>} : memref<96x128xf32, #tpu.memory_space<vmem>>, vector<16xf32>,
      %swap3A_54 = arith.index_cast %add3A_42 : i32 to index
      %swap3A_55 = arith.constant 64 : index
      %swap3A_56 = tpu.vector_load %arg11[%swap3A_54, %swap3A_55] {strides = array<i32>} : memref<96x128xf32, #tpu.memory_space<vmem>>, vector<16xf32>,
      tpu.vector_store %arg11[%swap3A_54, %swap3A_55], %broadcast_in_dim3A_1 {strides = array<i32>} : memref<96x128xf32, #tpu.memory_space<vmem>>, vector<16xf32>,
      %swap3A_57 = arith.index_cast %add3A_42 : i32 to index
      %swap3A_58 = arith.constant 80 : index
      %swap3A_59 = tpu.vector_load %arg11[%swap3A_57, %swap3A_58] {strides = array<i32>} : memref<96x128xf32, #tpu.memory_space<vmem>>, vector<16xf32>,
      tpu.vector_store %arg11[%swap3A_57, %swap3A_58], %broadcast_in_dim3A_1 {strides = array<i32>} : memref<96x128xf32, #tpu.memory_space<vmem>>, vector<16xf32>,
      %swap3A_60 = arith.index_cast %add3A_42 : i32 to index
      %swap3A_61 = arith.constant 96 : index
      %swap3A_62 = tpu.vector_load %arg11[%swap3A_60, %swap3A_61] {strides = array<i32>} : memref<96x128xf32, #tpu.memory_space<vmem>>, vector<16xf32>,
      tpu.vector_store %arg11[%swap3A_60, %swap3A_61], %broadcast_in_dim3A_1 {strides = array<i32>} : memref<96x128xf32, #tpu.memory_space<vmem>>, vector<16xf32>,
      %swap3A_63 = arith.index_cast %add3A_42 : i32 to index
      %swap3A_64 = arith.constant 112 : index
      %swap3A_65 = tpu.vector_load %arg11[%swap3A_63, %swap3A_64] {strides = array<i32>} : memref<96x128xf32, #tpu.memory_space<vmem>>, vector<16xf32>,
      tpu.vector_store %arg11[%swap3A_63, %swap3A_64], %broadcast_in_dim3A_1 {strides = array<i32>} : memref<96x128xf32, #tpu.memory_space<vmem>>, vector<16xf32>,
    }
    %scan3A_5 = arith.constant 64 : i32
    %scan3A_6 = arith.constant 0 : i32
    %scan3A_7 = arith.constant 10 : i32
    %scan3A_8 = arith.addi %scan3A_6, %scan3A_7 : i32
    %scan3A_9 = arith.constant 1 : i32
    scf.for %scan3A_38 = %scan3A_6 to %scan3A_8 step %scan3A_9  : i32 {
      %mul3A_39 = arith.constant 1 : i32
      %mul3A_40 = arith.muli %scan3A_38, %mul3A_39 : i32
      %add3A_41 = arith.constant 0 : i32
      %add3A_42 = arith.addi %add3A_41, %mul3A_40 : i32
      %mul3A_43 = arith.constant 640 : i32
      %mul3A_44 = arith.muli %arg1, %mul3A_43 : i32
      %mul3A_45 = arith.constant 64 : i32
      %mul3A_46 = arith.muli %add3A_42, %mul3A_45 : i32
      %add3A_47 = arith.addi %mul3A_44, %mul3A_46 : i32
      "tpu.region"() ({
        %run_scoped3A_48 = tpu.sem_alloc : memref<!tpu.dma_semaphore, #tpu.memory_space<semaphore_mem>>
        %dma_start3A_49 = arith.constant 0 : i32
        %dma_start3A_50 = arith.constant 0 : i32
        %dma_start3A_51 = tpu.memref_slice %arg11[%dma_start3A_49, %dma_start3A_50] : memref<96x128xf32, #tpu.memory_space<vmem>> -> memref<64x128xf32, #tpu.memory_space<vmem>>
        %dma_start3A_52 = arith.constant 0 : i32
        %dma_start3A_53 = tpu.memref_slice %arg15[%add3A_47, %dma_start3A_52] : memref<10240x128xf32, #tpu.memory_space<vmem_shared>> -> memref<64x128xf32, #tpu.memory_space<vmem_shared>>
        %dma_start3A_54 = arith.constant 0 : i32
        %dma_start3A_55 = tpu.memref_slice %arg15[%add3A_47, %dma_start3A_54] : memref<10240x128xf32, #tpu.memory_space<vmem_shared>> -> memref<64x128xf32, #tpu.memory_space<vmem_shared>>
        %dma_start3A_56 = arith.constant 0 : i32
        %dma_start3A_57 = arith.constant 0 : i32
        %dma_start3A_58 = tpu.memref_slice %arg11[%dma_start3A_56, %dma_start3A_57] : memref<96x128xf32, #tpu.memory_space<vmem>> -> memref<64x128xf32, #tpu.memory_space<vmem>>
        tpu.enqueue_dma source(%dma_start3A_58 : memref<64x128xf32, #tpu.memory_space<vmem>>) target(%dma_start3A_55 : memref<64x128xf32, #tpu.memory_space<vmem_shared>>) target_semaphore(%run_scoped3A_48 : memref<!tpu.dma_semaphore, #tpu.memory_space<semaphore_mem>>)
        %dma_wait3A_59 = arith.constant 0 : i32
        %dma_wait3A_60 = arith.constant 0 : i32
        %dma_wait3A_61 = tpu.memref_slice %arg11[%dma_wait3A_59, %dma_wait3A_60] : memref<96x128xf32, #tpu.memory_space<vmem>> -> memref<64x128xf32, #tpu.memory_space<vmem>>
        %dma_wait3A_62 = arith.constant 0 : i32
        %dma_wait3A_63 = tpu.memref_slice %arg15[%add3A_47, %dma_wait3A_62] : memref<10240x128xf32, #tpu.memory_space<vmem_shared>> -> memref<64x128xf32, #tpu.memory_space<vmem_shared>>
        %dma_wait3A_64 = arith.constant 0 : i32
        %dma_wait3A_65 = tpu.memref_slice %arg15[%add3A_47, %dma_wait3A_64] : memref<10240x128xf32, #tpu.memory_space<vmem_shared>> -> memref<64x128xf32, #tpu.memory_space<vmem_shared>>
        %dma_wait3A_66 = arith.constant 0 : i32
        %dma_wait3A_67 = arith.constant 0 : i32
        %dma_wait3A_68 = tpu.memref_slice %arg11[%dma_wait3A_66, %dma_wait3A_67] : memref<96x128xf32, #tpu.memory_space<vmem>> -> memref<64x128xf32, #tpu.memory_space<vmem>>
        tpu.wait_dma2 semaphore(%run_scoped3A_48 : memref<!tpu.dma_semaphore, #tpu.memory_space<semaphore_mem>>) src(%dma_wait3A_68 : memref<64x128xf32, #tpu.memory_space<vmem>>) dst(%dma_wait3A_65 : memref<64x128xf32, #tpu.memory_space<vmem_shared>>)
        tpu.yield
      }) : () -> ()
    }
    %scan3A_10 = arith.constant 10 : i32
    "tpu.region"() ({
      %run_scoped3A_38 = tpu.sem_alloc : memref<!tpu.dma_semaphore, #tpu.memory_space<semaphore_mem>>
      %dma_start3A_39 = arith.constant 0 : i32
      %dma_start3A_40 = arith.constant 0 : i32
      %dma_start3A_41 = tpu.memref_slice %arg3[%add3A, %dma_start3A_39, %dma_start3A_40] : memref<32x53x96xi32, #tpu.memory_space<hbm>> -> memref<1x53x96xi32, #tpu.memory_space<hbm>>
      %dma_start3A_42 = tpu.memref_squeeze %dma_start3A_41 : memref<1x53x96xi32, #tpu.memory_space<hbm>> -> memref<53x96xi32, #tpu.memory_space<hbm>>
      %dma_start3A_43 = arith.constant 0 : i32
      %dma_start3A_44 = arith.constant 0 : i32
      %dma_start3A_45 = tpu.memref_slice %arg3[%add3A, %dma_start3A_43, %dma_start3A_44] : memref<32x53x96xi32, #tpu.memory_space<hbm>> -> memref<1x53x96xi32, #tpu.memory_space<hbm>>
      %dma_start3A_46 = tpu.memref_squeeze %dma_start3A_45 : memref<1x53x96xi32, #tpu.memory_space<hbm>> -> memref<53x96xi32, #tpu.memory_space<hbm>>
      tpu.enqueue_dma source(%dma_start3A_46 : memref<53x96xi32, #tpu.memory_space<hbm>>) target(%arg8 : memref<53x96xi32, #tpu.memory_space<vmem>>) target_semaphore(%run_scoped3A_38 : memref<!tpu.dma_semaphore, #tpu.memory_space<semaphore_mem>>)
      %dma_wait3A_47 = arith.constant 0 : i32
      %dma_wait3A_48 = arith.constant 0 : i32
      %dma_wait3A_49 = tpu.memref_slice %arg3[%add3A, %dma_wait3A_47, %dma_wait3A_48] : memref<32x53x96xi32, #tpu.memory_space<hbm>> -> memref<1x53x96xi32, #tpu.memory_space<hbm>>
      %dma_wait3A_50 = tpu.memref_squeeze %dma_wait3A_49 : memref<1x53x96xi32, #tpu.memory_space<hbm>> -> memref<53x96xi32, #tpu.memory_space<hbm>>
      %dma_wait3A_51 = arith.constant 0 : i32
      %dma_wait3A_52 = arith.constant 0 : i32
      %dma_wait3A_53 = tpu.memref_slice %arg3[%add3A, %dma_wait3A_51, %dma_wait3A_52] : memref<32x53x96xi32, #tpu.memory_space<hbm>> -> memref<1x53x96xi32, #tpu.memory_space<hbm>>
      %dma_wait3A_54 = tpu.memref_squeeze %dma_wait3A_53 : memref<1x53x96xi32, #tpu.memory_space<hbm>> -> memref<53x96xi32, #tpu.memory_space<hbm>>
      tpu.wait_dma2 semaphore(%run_scoped3A_38 : memref<!tpu.dma_semaphore, #tpu.memory_space<semaphore_mem>>) src(%dma_wait3A_54 : memref<53x96xi32, #tpu.memory_space<hbm>>) dst(%arg8 : memref<53x96xi32, #tpu.memory_space<vmem>>)
      tpu.yield
    }) : () -> ()
    "tpu.region"() ({
      %run_scoped3A_38 = tpu.sem_alloc : memref<!tpu.dma_semaphore, #tpu.memory_space<semaphore_mem>>
      %dma_start3A_39 = arith.constant 0 : i32
      %dma_start3A_40 = arith.constant 0 : i32
      %dma_start3A_41 = tpu.memref_slice %arg4[%add3A, %dma_start3A_39, %dma_start3A_40] : memref<32x53x96xi32, #tpu.memory_space<hbm>> -> memref<1x53x96xi32, #tpu.memory_space<hbm>>
      %dma_start3A_42 = tpu.memref_squeeze %dma_start3A_41 : memref<1x53x96xi32, #tpu.memory_space<hbm>> -> memref<53x96xi32, #tpu.memory_space<hbm>>
      %dma_start3A_43 = arith.constant 0 : i32
      %dma_start3A_44 = arith.constant 0 : i32
      %dma_start3A_45 = tpu.memref_slice %arg4[%add3A, %dma_start3A_43, %dma_start3A_44] : memref<32x53x96xi32, #tpu.memory_space<hbm>> -> memref<1x53x96xi32, #tpu.memory_space<hbm>>
      %dma_start3A_46 = tpu.memref_squeeze %dma_start3A_45 : memref<1x53x96xi32, #tpu.memory_space<hbm>> -> memref<53x96xi32, #tpu.memory_space<hbm>>
      tpu.enqueue_dma source(%dma_start3A_46 : memref<53x96xi32, #tpu.memory_space<hbm>>) target(%arg9 : memref<53x96xi32, #tpu.memory_space<vmem>>) target_semaphore(%run_scoped3A_38 : memref<!tpu.dma_semaphore, #tpu.memory_space<semaphore_mem>>)
      %dma_wait3A_47 = arith.constant 0 : i32
      %dma_wait3A_48 = arith.constant 0 : i32
      %dma_wait3A_49 = tpu.memref_slice %arg4[%add3A, %dma_wait3A_47, %dma_wait3A_48] : memref<32x53x96xi32, #tpu.memory_space<hbm>> -> memref<1x53x96xi32, #tpu.memory_space<hbm>>
      %dma_wait3A_50 = tpu.memref_squeeze %dma_wait3A_49 : memref<1x53x96xi32, #tpu.memory_space<hbm>> -> memref<53x96xi32, #tpu.memory_space<hbm>>
      %dma_wait3A_51 = arith.constant 0 : i32
      %dma_wait3A_52 = arith.constant 0 : i32
      %dma_wait3A_53 = tpu.memref_slice %arg4[%add3A, %dma_wait3A_51, %dma_wait3A_52] : memref<32x53x96xi32, #tpu.memory_space<hbm>> -> memref<1x53x96xi32, #tpu.memory_space<hbm>>
      %dma_wait3A_54 = tpu.memref_squeeze %dma_wait3A_53 : memref<1x53x96xi32, #tpu.memory_space<hbm>> -> memref<53x96xi32, #tpu.memory_space<hbm>>
      tpu.wait_dma2 semaphore(%run_scoped3A_38 : memref<!tpu.dma_semaphore, #tpu.memory_space<semaphore_mem>>) src(%dma_wait3A_54 : memref<53x96xi32, #tpu.memory_space<hbm>>) dst(%arg9 : memref<53x96xi32, #tpu.memory_space<vmem>>)
      tpu.yield
    }) : () -> ()
    "tpu.region"() ({
      %run_scoped3A_38 = tpu.sem_alloc : memref<!tpu.dma_semaphore, #tpu.memory_space<semaphore_mem>>
      %dma_start3A_39 = arith.constant 0 : i32
      %dma_start3A_40 = arith.constant 0 : i32
      %dma_start3A_41 = tpu.memref_slice %arg5[%add3A, %dma_start3A_39, %dma_start3A_40] : memref<32x53x96xf32, #tpu.memory_space<hbm>> -> memref<1x53x96xf32, #tpu.memory_space<hbm>>
      %dma_start3A_42 = tpu.memref_squeeze %dma_start3A_41 : memref<1x53x96xf32, #tpu.memory_space<hbm>> -> memref<53x96xf32, #tpu.memory_space<hbm>>
      %dma_start3A_43 = arith.constant 0 : i32
      %dma_start3A_44 = arith.constant 0 : i32
      %dma_start3A_45 = tpu.memref_slice %arg5[%add3A, %dma_start3A_43, %dma_start3A_44] : memref<32x53x96xf32, #tpu.memory_space<hbm>> -> memref<1x53x96xf32, #tpu.memory_space<hbm>>
      %dma_start3A_46 = tpu.memref_squeeze %dma_start3A_45 : memref<1x53x96xf32, #tpu.memory_space<hbm>> -> memref<53x96xf32, #tpu.memory_space<hbm>>
      tpu.enqueue_dma source(%dma_start3A_46 : memref<53x96xf32, #tpu.memory_space<hbm>>) target(%arg10 : memref<53x96xf32, #tpu.memory_space<vmem>>) target_semaphore(%run_scoped3A_38 : memref<!tpu.dma_semaphore, #tpu.memory_space<semaphore_mem>>)
      %dma_wait3A_47 = arith.constant 0 : i32
      %dma_wait3A_48 = arith.constant 0 : i32
      %dma_wait3A_49 = tpu.memref_slice %arg5[%add3A, %dma_wait3A_47, %dma_wait3A_48] : memref<32x53x96xf32, #tpu.memory_space<hbm>> -> memref<1x53x96xf32, #tpu.memory_space<hbm>>
      %dma_wait3A_50 = tpu.memref_squeeze %dma_wait3A_49 : memref<1x53x96xf32, #tpu.memory_space<hbm>> -> memref<53x96xf32, #tpu.memory_space<hbm>>
      %dma_wait3A_51 = arith.constant 0 : i32
      %dma_wait3A_52 = arith.constant 0 : i32
      %dma_wait3A_53 = tpu.memref_slice %arg5[%add3A, %dma_wait3A_51, %dma_wait3A_52] : memref<32x53x96xf32, #tpu.memory_space<hbm>> -> memref<1x53x96xf32, #tpu.memory_space<hbm>>
      %dma_wait3A_54 = tpu.memref_squeeze %dma_wait3A_53 : memref<1x53x96xf32, #tpu.memory_space<hbm>> -> memref<53x96xf32, #tpu.memory_space<hbm>>
      tpu.wait_dma2 semaphore(%run_scoped3A_38 : memref<!tpu.dma_semaphore, #tpu.memory_space<semaphore_mem>>) src(%dma_wait3A_54 : memref<53x96xf32, #tpu.memory_space<hbm>>) dst(%arg10 : memref<53x96xf32, #tpu.memory_space<vmem>>)
      tpu.yield
    }) : () -> ()
    %barrier3A = arith.constant 0 : index
    tpu.barrier barrier_id(%barrier3A)
    %dma_start3A = arith.constant 0 : i32
    %dma_start3A_11 = arith.constant 0 : i32
    %dma_start3A_12 = tpu.memref_slice %arg8[%dma_start3A, %dma_start3A_11] : memref<53x96xi32, #tpu.memory_space<vmem>> -> memref<1x96xi32, #tpu.memory_space<vmem>>
    %dma_start3A_13 = tpu.memref_squeeze %dma_start3A_12 : memref<1x96xi32, #tpu.memory_space<vmem>> -> memref<96xi32, #tpu.memory_space<vmem>>
    %dma_start3A_14 = arith.constant 0 : i32
    %dma_start3A_15 = arith.constant 0 : i32
    %dma_start3A_16 = tpu.memref_slice %arg2[%dma_start3A_14, %dma_start3A_15] : memref<10000x128xf32, #tpu.memory_space<hbm>> -> memref<10000x128xf32, #tpu.memory_space<hbm>>
    tpu.enqueue_indirect_dma source(%dma_start3A_16 : memref<10000x128xf32, #tpu.memory_space<hbm>>) target(%arg11 : memref<96x128xf32, #tpu.memory_space<vmem>>) offsets(%dma_start3A_13 : memref<96xi32, #tpu.memory_space<vmem>>) semaphore(%arg13 : memref<!tpu.dma_semaphore, #tpu.memory_space<semaphore_mem>>)
    %scan3A_17 = arith.constant 0 : i32
    %scan3A_18 = arith.constant 26 : i32
    %scan3A_19 = arith.addi %scan3A_17, %scan3A_18 : i32
    %scan3A_20 = arith.constant 1 : i32
    scf.for %scan3A_38 = %scan3A_17 to %scan3A_19 step %scan3A_20  : i32 {
      %mul3A_39 = arith.constant 1 : i32
      %mul3A_40 = arith.muli %scan3A_38, %mul3A_39 : i32
      %add3A_41 = arith.constant 0 : i32
      %add3A_42 = arith.addi %add3A_41, %mul3A_40 : i32
      %mul3A_43 = arith.constant 2 : i32
      %mul3A_44 = arith.muli %mul3A_43, %add3A_42 : i32
      %add3A_45 = arith.constant 1 : i32
      %add3A_46 = arith.addi %mul3A_44, %add3A_45 : i32
      %dma_start3A_47 = arith.constant 0 : i32
      %dma_start3A_48 = tpu.memref_slice %arg8[%add3A_46, %dma_start3A_47] : memref<53x96xi32, #tpu.memory_space<vmem>> -> memref<1x96xi32, #tpu.memory_space<vmem>>
      %dma_start3A_49 = tpu.memref_squeeze %dma_start3A_48 : memref<1x96xi32, #tpu.memory_space<vmem>> -> memref<96xi32, #tpu.memory_space<vmem>>
      %dma_start3A_50 = arith.constant 0 : i32
      %dma_start3A_51 = arith.constant 0 : i32
      %dma_start3A_52 = tpu.memref_slice %arg2[%dma_start3A_50, %dma_start3A_51] : memref<10000x128xf32, #tpu.memory_space<hbm>> -> memref<10000x128xf32, #tpu.memory_space<hbm>>
      tpu.enqueue_indirect_dma source(%dma_start3A_52 : memref<10000x128xf32, #tpu.memory_space<hbm>>) target(%arg12 : memref<96x128xf32, #tpu.memory_space<vmem>>) offsets(%dma_start3A_49 : memref<96xi32, #tpu.memory_space<vmem>>) semaphore(%arg14 : memref<!tpu.dma_semaphore, #tpu.memory_space<semaphore_mem>>)
      %dma_wait3A_53 = arith.constant 0 : i32
      %dma_wait3A_54 = tpu.memref_slice %arg8[%mul3A_44, %dma_wait3A_53] : memref<53x96xi32, #tpu.memory_space<vmem>> -> memref<1x96xi32, #tpu.memory_space<vmem>>
      %dma_wait3A_55 = tpu.memref_squeeze %dma_wait3A_54 : memref<1x96xi32, #tpu.memory_space<vmem>> -> memref<96xi32, #tpu.memory_space<vmem>>
      %dma_wait3A_56 = arith.constant 0 : i32
      %dma_wait3A_57 = arith.constant 0 : i32
      %dma_wait3A_58 = tpu.memref_slice %arg2[%dma_wait3A_56, %dma_wait3A_57] : memref<10000x128xf32, #tpu.memory_space<hbm>> -> memref<10000x128xf32, #tpu.memory_space<hbm>>
      tpu.wait_indirect_dma semaphore(%arg13 : memref<!tpu.dma_semaphore, #tpu.memory_space<semaphore_mem>>) src(%dma_wait3A_58 : memref<10000x128xf32, #tpu.memory_space<hbm>>) dst(%arg11 : memref<96x128xf32, #tpu.memory_space<vmem>>)
      %broadcast_in_dim3A_59 = vector.broadcast %mul3A_44 : i32 to vector<16xi32>
      %parallel_loop3A_60 = arith.constant 0 : i32
      %parallel_loop3A_61 = arith.constant 96 : i32
      %parallel_loop3A_62 = arith.constant 1 : i32
      scf.for %parallel_loop3A_87 = %parallel_loop3A_60 to %parallel_loop3A_61 step %parallel_loop3A_62  : i32 {
        %parallel_loop3A_88 = vector.broadcast %parallel_loop3A_87 : i32 to vector<16xi32>
        %parallel_loop3A_89 = tpu.vector_load_idx %arg10[%broadcast_in_dim3A_59, %parallel_loop3A_88] : memref<53x96xf32, #tpu.memory_space<vmem>>[vector<16xi32>, vector<16xi32>], vector<16xf32>,
        %parallel_loop3A_90 = arith.index_cast %parallel_loop3A_87 : i32 to index
        %parallel_loop3A_91 = arith.constant 0 : index
        %parallel_loop3A_92 = tpu.vector_load %arg11[%parallel_loop3A_90, %parallel_loop3A_91] {strides = array<i32>} : memref<96x128xf32, #tpu.memory_space<vmem>>, vector<16xf32>,
        %parallel_loop3A_93 = arith.mulf %parallel_loop3A_92, %parallel_loop3A_89 : vector<16xf32>
        %parallel_loop3A_94 = arith.index_cast %parallel_loop3A_87 : i32 to index
        %parallel_loop3A_95 = arith.constant 0 : index
        %parallel_loop3A_96 = tpu.vector_load %arg11[%parallel_loop3A_94, %parallel_loop3A_95] {strides = array<i32>} : memref<96x128xf32, #tpu.memory_space<vmem>>, vector<16xf32>,
        tpu.vector_store %arg11[%parallel_loop3A_94, %parallel_loop3A_95], %parallel_loop3A_93 {strides = array<i32>} : memref<96x128xf32, #tpu.memory_space<vmem>>, vector<16xf32>,
        %parallel_loop3A_97 = arith.index_cast %parallel_loop3A_87 : i32 to index
        %parallel_loop3A_98 = arith.constant 16 : index
        %parallel_loop3A_99 = tpu.vector_load %arg11[%parallel_loop3A_97, %parallel_loop3A_98] {strides = array<i32>} : memref<96x128xf32, #tpu.memory_space<vmem>>, vector<16xf32>,
        %parallel_loop3A_100 = arith.mulf %parallel_loop3A_99, %parallel_loop3A_89 : vector<16xf32>
        %parallel_loop3A_101 = arith.index_cast %parallel_loop3A_87 : i32 to index
        %parallel_loop3A_102 = arith.constant 16 : index
        %parallel_loop3A_103 = tpu.vector_load %arg11[%parallel_loop3A_101, %parallel_loop3A_102] {strides = array<i32>} : memref<96x128xf32, #tpu.memory_space<vmem>>, vector<16xf32>,
        tpu.vector_store %arg11[%parallel_loop3A_101, %parallel_loop3A_102], %parallel_loop3A_100 {strides = array<i32>} : memref<96x128xf32, #tpu.memory_space<vmem>>, vector<16xf32>,
        %parallel_loop3A_104 = arith.index_cast %parallel_loop3A_87 : i32 to index
        %parallel_loop3A_105 = arith.constant 32 : index
        %parallel_loop3A_106 = tpu.vector_load %arg11[%parallel_loop3A_104, %parallel_loop3A_105] {strides = array<i32>} : memref<96x128xf32, #tpu.memory_space<vmem>>, vector<16xf32>,
        %parallel_loop3A_107 = arith.mulf %parallel_loop3A_106, %parallel_loop3A_89 : vector<16xf32>
        %parallel_loop3A_108 = arith.index_cast %parallel_loop3A_87 : i32 to index
        %parallel_loop3A_109 = arith.constant 32 : index
        %parallel_loop3A_110 = tpu.vector_load %arg11[%parallel_loop3A_108, %parallel_loop3A_109] {strides = array<i32>} : memref<96x128xf32, #tpu.memory_space<vmem>>, vector<16xf32>,
        tpu.vector_store %arg11[%parallel_loop3A_108, %parallel_loop3A_109], %parallel_loop3A_107 {strides = array<i32>} : memref<96x128xf32, #tpu.memory_space<vmem>>, vector<16xf32>,
        %parallel_loop3A_111 = arith.index_cast %parallel_loop3A_87 : i32 to index
        %parallel_loop3A_112 = arith.constant 48 : index
        %parallel_loop3A_113 = tpu.vector_load %arg11[%parallel_loop3A_111, %parallel_loop3A_112] {strides = array<i32>} : memref<96x128xf32, #tpu.memory_space<vmem>>, vector<16xf32>,
        %parallel_loop3A_114 = arith.mulf %parallel_loop3A_113, %parallel_loop3A_89 : vector<16xf32>
        %parallel_loop3A_115 = arith.index_cast %parallel_loop3A_87 : i32 to index
        %parallel_loop3A_116 = arith.constant 48 : index
        %parallel_loop3A_117 = tpu.vector_load %arg11[%parallel_loop3A_115, %parallel_loop3A_116] {strides = array<i32>} : memref<96x128xf32, #tpu.memory_space<vmem>>, vector<16xf32>,
        tpu.vector_store %arg11[%parallel_loop3A_115, %parallel_loop3A_116], %parallel_loop3A_114 {strides = array<i32>} : memref<96x128xf32, #tpu.memory_space<vmem>>, vector<16xf32>,
        %parallel_loop3A_118 = arith.index_cast %parallel_loop3A_87 : i32 to index
        %parallel_loop3A_119 = arith.constant 64 : index
        %parallel_loop3A_120 = tpu.vector_load %arg11[%parallel_loop3A_118, %parallel_loop3A_119] {strides = array<i32>} : memref<96x128xf32, #tpu.memory_space<vmem>>, vector<16xf32>,
        %parallel_loop3A_121 = arith.mulf %parallel_loop3A_120, %parallel_loop3A_89 : vector<16xf32>
        %parallel_loop3A_122 = arith.index_cast %parallel_loop3A_87 : i32 to index
        %parallel_loop3A_123 = arith.constant 64 : index
        %parallel_loop3A_124 = tpu.vector_load %arg11[%parallel_loop3A_122, %parallel_loop3A_123] {strides = array<i32>} : memref<96x128xf32, #tpu.memory_space<vmem>>, vector<16xf32>,
        tpu.vector_store %arg11[%parallel_loop3A_122, %parallel_loop3A_123], %parallel_loop3A_121 {strides = array<i32>} : memref<96x128xf32, #tpu.memory_space<vmem>>, vector<16xf32>,
        %parallel_loop3A_125 = arith.index_cast %parallel_loop3A_87 : i32 to index
        %parallel_loop3A_126 = arith.constant 80 : index
        %parallel_loop3A_127 = tpu.vector_load %arg11[%parallel_loop3A_125, %parallel_loop3A_126] {strides = array<i32>} : memref<96x128xf32, #tpu.memory_space<vmem>>, vector<16xf32>,
        %parallel_loop3A_128 = arith.mulf %parallel_loop3A_127, %parallel_loop3A_89 : vector<16xf32>
        %parallel_loop3A_129 = arith.index_cast %parallel_loop3A_87 : i32 to index
        %parallel_loop3A_130 = arith.constant 80 : index
        %parallel_loop3A_131 = tpu.vector_load %arg11[%parallel_loop3A_129, %parallel_loop3A_130] {strides = array<i32>} : memref<96x128xf32, #tpu.memory_space<vmem>>, vector<16xf32>,
        tpu.vector_store %arg11[%parallel_loop3A_129, %parallel_loop3A_130], %parallel_loop3A_128 {strides = array<i32>} : memref<96x128xf32, #tpu.memory_space<vmem>>, vector<16xf32>,
        %parallel_loop3A_132 = arith.index_cast %parallel_loop3A_87 : i32 to index
        %parallel_loop3A_133 = arith.constant 96 : index
        %parallel_loop3A_134 = tpu.vector_load %arg11[%parallel_loop3A_132, %parallel_loop3A_133] {strides = array<i32>} : memref<96x128xf32, #tpu.memory_space<vmem>>, vector<16xf32>,
        %parallel_loop3A_135 = arith.mulf %parallel_loop3A_134, %parallel_loop3A_89 : vector<16xf32>
        %parallel_loop3A_136 = arith.index_cast %parallel_loop3A_87 : i32 to index
        %parallel_loop3A_137 = arith.constant 96 : index
        %parallel_loop3A_138 = tpu.vector_load %arg11[%parallel_loop3A_136, %parallel_loop3A_137] {strides = array<i32>} : memref<96x128xf32, #tpu.memory_space<vmem>>, vector<16xf32>,
        tpu.vector_store %arg11[%parallel_loop3A_136, %parallel_loop3A_137], %parallel_loop3A_135 {strides = array<i32>} : memref<96x128xf32, #tpu.memory_space<vmem>>, vector<16xf32>,
        %parallel_loop3A_139 = arith.index_cast %parallel_loop3A_87 : i32 to index
        %parallel_loop3A_140 = arith.constant 112 : index
        %parallel_loop3A_141 = tpu.vector_load %arg11[%parallel_loop3A_139, %parallel_loop3A_140] {strides = array<i32>} : memref<96x128xf32, #tpu.memory_space<vmem>>, vector<16xf32>,
        %parallel_loop3A_142 = arith.mulf %parallel_loop3A_141, %parallel_loop3A_89 : vector<16xf32>
        %parallel_loop3A_143 = arith.index_cast %parallel_loop3A_87 : i32 to index
        %parallel_loop3A_144 = arith.constant 112 : index
        %parallel_loop3A_145 = tpu.vector_load %arg11[%parallel_loop3A_143, %parallel_loop3A_144] {strides = array<i32>} : memref<96x128xf32, #tpu.memory_space<vmem>>, vector<16xf32>,
        tpu.vector_store %arg11[%parallel_loop3A_143, %parallel_loop3A_144], %parallel_loop3A_142 {strides = array<i32>} : memref<96x128xf32, #tpu.memory_space<vmem>>, vector<16xf32>,
      } {sc.loop_unroll_factor = 4 : i64, sc.parallel_access}
      "tpu.region"() ({
        %run_scoped3A_87 = tpu.sem_alloc : memref<!tpu.dma_semaphore, #tpu.memory_space<semaphore_mem>>
        %dma_start3A_88 = arith.constant 0 : i32
        %dma_start3A_89 = tpu.memref_slice %arg9[%mul3A_44, %dma_start3A_88] : memref<53x96xi32, #tpu.memory_space<vmem>> -> memref<1x96xi32, #tpu.memory_space<vmem>>
        %dma_start3A_90 = tpu.memref_squeeze %dma_start3A_89 : memref<1x96xi32, #tpu.memory_space<vmem>> -> memref<96xi32, #tpu.memory_space<vmem>>
        %dma_start3A_91 = arith.constant 0 : i32
        %dma_start3A_92 = arith.constant 0 : i32
        %dma_start3A_93 = tpu.memref_slice %arg15[%dma_start3A_91, %dma_start3A_92] : memref<10240x128xf32, #tpu.memory_space<vmem_shared>> -> memref<10240x128xf32, #tpu.memory_space<vmem_shared>>
        tpu.enqueue_indirect_dma source(%arg11 : memref<96x128xf32, #tpu.memory_space<vmem>>) target(%dma_start3A_93 : memref<10240x128xf32, #tpu.memory_space<vmem_shared>>) offsets(%dma_start3A_90 : memref<96xi32, #tpu.memory_space<vmem>>) semaphore(%run_scoped3A_87 : memref<!tpu.dma_semaphore, #tpu.memory_space<semaphore_mem>>) {add = true}
        %dma_wait3A_94 = arith.constant 0 : i32
        %dma_wait3A_95 = tpu.memref_slice %arg9[%mul3A_44, %dma_wait3A_94] : memref<53x96xi32, #tpu.memory_space<vmem>> -> memref<1x96xi32, #tpu.memory_space<vmem>>
        %dma_wait3A_96 = tpu.memref_squeeze %dma_wait3A_95 : memref<1x96xi32, #tpu.memory_space<vmem>> -> memref<96xi32, #tpu.memory_space<vmem>>
        %dma_wait3A_97 = arith.constant 0 : i32
        %dma_wait3A_98 = arith.constant 0 : i32
        %dma_wait3A_99 = tpu.memref_slice %arg15[%dma_wait3A_97, %dma_wait3A_98] : memref<10240x128xf32, #tpu.memory_space<vmem_shared>> -> memref<10240x128xf32, #tpu.memory_space<vmem_shared>>
        tpu.wait_indirect_dma semaphore(%run_scoped3A_87 : memref<!tpu.dma_semaphore, #tpu.memory_space<semaphore_mem>>) src(%arg11 : memref<96x128xf32, #tpu.memory_space<vmem>>) dst(%dma_wait3A_99 : memref<10240x128xf32, #tpu.memory_space<vmem_shared>>)
        tpu.yield
      }) : () -> ()
      %add3A_63 = arith.constant 2 : i32
      %add3A_64 = arith.addi %mul3A_44, %add3A_63 : i32
      %dma_start3A_65 = arith.constant 0 : i32
      %dma_start3A_66 = tpu.memref_slice %arg8[%add3A_64, %dma_start3A_65] : memref<53x96xi32, #tpu.memory_space<vmem>> -> memref<1x96xi32, #tpu.memory_space<vmem>>
      %dma_start3A_67 = tpu.memref_squeeze %dma_start3A_66 : memref<1x96xi32, #tpu.memory_space<vmem>> -> memref<96xi32, #tpu.memory_space<vmem>>
      %dma_start3A_68 = arith.constant 0 : i32
      %dma_start3A_69 = arith.constant 0 : i32
      %dma_start3A_70 = tpu.memref_slice %arg2[%dma_start3A_68, %dma_start3A_69] : memref<10000x128xf32, #tpu.memory_space<hbm>> -> memref<10000x128xf32, #tpu.memory_space<hbm>>
      tpu.enqueue_indirect_dma source(%dma_start3A_70 : memref<10000x128xf32, #tpu.memory_space<hbm>>) target(%arg11 : memref<96x128xf32, #tpu.memory_space<vmem>>) offsets(%dma_start3A_67 : memref<96xi32, #tpu.memory_space<vmem>>) semaphore(%arg13 : memref<!tpu.dma_semaphore, #tpu.memory_space<semaphore_mem>>)
      %add3A_71 = arith.constant 1 : i32
      %add3A_72 = arith.addi %mul3A_44, %add3A_71 : i32
      %dma_wait3A_73 = arith.constant 0 : i32
      %dma_wait3A_74 = tpu.memref_slice %arg8[%add3A_72, %dma_wait3A_73] : memref<53x96xi32, #tpu.memory_space<vmem>> -> memref<1x96xi32, #tpu.memory_space<vmem>>
      %dma_wait3A_75 = tpu.memref_squeeze %dma_wait3A_74 : memref<1x96xi32, #tpu.memory_space<vmem>> -> memref<96xi32, #tpu.memory_space<vmem>>
      %dma_wait3A_76 = arith.constant 0 : i32
      %dma_wait3A_77 = arith.constant 0 : i32
      %dma_wait3A_78 = tpu.memref_slice %arg2[%dma_wait3A_76, %dma_wait3A_77] : memref<10000x128xf32, #tpu.memory_space<hbm>> -> memref<10000x128xf32, #tpu.memory_space<hbm>>
      tpu.wait_indirect_dma semaphore(%arg14 : memref<!tpu.dma_semaphore, #tpu.memory_space<semaphore_mem>>) src(%dma_wait3A_78 : memref<10000x128xf32, #tpu.memory_space<hbm>>) dst(%arg12 : memref<96x128xf32, #tpu.memory_space<vmem>>)
      %add3A_79 = arith.constant 1 : i32
      %add3A_80 = arith.addi %mul3A_44, %add3A_79 : i32
      %broadcast_in_dim3A_81 = vector.broadcast %add3A_80 : i32 to vector<16xi32>
      %parallel_loop3A_82 = arith.constant 0 : i32
      %parallel_loop3A_83 = arith.constant 96 : i32
      %parallel_loop3A_84 = arith.constant 1 : i32
      scf.for %parallel_loop3A_87 = %parallel_loop3A_82 to %parallel_loop3A_83 step %parallel_loop3A_84  : i32 {
        %parallel_loop3A_88 = vector.broadcast %parallel_loop3A_87 : i32 to vector<16xi32>
        %parallel_loop3A_89 = tpu.vector_load_idx %arg10[%broadcast_in_dim3A_81, %parallel_loop3A_88] : memref<53x96xf32, #tpu.memory_space<vmem>>[vector<16xi32>, vector<16xi32>], vector<16xf32>,
        %parallel_loop3A_90 = arith.index_cast %parallel_loop3A_87 : i32 to index
        %parallel_loop3A_91 = arith.constant 0 : index
        %parallel_loop3A_92 = tpu.vector_load %arg12[%parallel_loop3A_90, %parallel_loop3A_91] {strides = array<i32>} : memref<96x128xf32, #tpu.memory_space<vmem>>, vector<16xf32>,
        %parallel_loop3A_93 = arith.mulf %parallel_loop3A_92, %parallel_loop3A_89 : vector<16xf32>
        %parallel_loop3A_94 = arith.index_cast %parallel_loop3A_87 : i32 to index
        %parallel_loop3A_95 = arith.constant 0 : index
        %parallel_loop3A_96 = tpu.vector_load %arg12[%parallel_loop3A_94, %parallel_loop3A_95] {strides = array<i32>} : memref<96x128xf32, #tpu.memory_space<vmem>>, vector<16xf32>,
        tpu.vector_store %arg12[%parallel_loop3A_94, %parallel_loop3A_95], %parallel_loop3A_93 {strides = array<i32>} : memref<96x128xf32, #tpu.memory_space<vmem>>, vector<16xf32>,
        %parallel_loop3A_97 = arith.index_cast %parallel_loop3A_87 : i32 to index
        %parallel_loop3A_98 = arith.constant 16 : index
        %parallel_loop3A_99 = tpu.vector_load %arg12[%parallel_loop3A_97, %parallel_loop3A_98] {strides = array<i32>} : memref<96x128xf32, #tpu.memory_space<vmem>>, vector<16xf32>,
        %parallel_loop3A_100 = arith.mulf %parallel_loop3A_99, %parallel_loop3A_89 : vector<16xf32>
        %parallel_loop3A_101 = arith.index_cast %parallel_loop3A_87 : i32 to index
        %parallel_loop3A_102 = arith.constant 16 : index
        %parallel_loop3A_103 = tpu.vector_load %arg12[%parallel_loop3A_101, %parallel_loop3A_102] {strides = array<i32>} : memref<96x128xf32, #tpu.memory_space<vmem>>, vector<16xf32>,
        tpu.vector_store %arg12[%parallel_loop3A_101, %parallel_loop3A_102], %parallel_loop3A_100 {strides = array<i32>} : memref<96x128xf32, #tpu.memory_space<vmem>>, vector<16xf32>,
        %parallel_loop3A_104 = arith.index_cast %parallel_loop3A_87 : i32 to index
        %parallel_loop3A_105 = arith.constant 32 : index
        %parallel_loop3A_106 = tpu.vector_load %arg12[%parallel_loop3A_104, %parallel_loop3A_105] {strides = array<i32>} : memref<96x128xf32, #tpu.memory_space<vmem>>, vector<16xf32>,
        %parallel_loop3A_107 = arith.mulf %parallel_loop3A_106, %parallel_loop3A_89 : vector<16xf32>
        %parallel_loop3A_108 = arith.index_cast %parallel_loop3A_87 : i32 to index
        %parallel_loop3A_109 = arith.constant 32 : index
        %parallel_loop3A_110 = tpu.vector_load %arg12[%parallel_loop3A_108, %parallel_loop3A_109] {strides = array<i32>} : memref<96x128xf32, #tpu.memory_space<vmem>>, vector<16xf32>,
        tpu.vector_store %arg12[%parallel_loop3A_108, %parallel_loop3A_109], %parallel_loop3A_107 {strides = array<i32>} : memref<96x128xf32, #tpu.memory_space<vmem>>, vector<16xf32>,
        %parallel_loop3A_111 = arith.index_cast %parallel_loop3A_87 : i32 to index
        %parallel_loop3A_112 = arith.constant 48 : index
        %parallel_loop3A_113 = tpu.vector_load %arg12[%parallel_loop3A_111, %parallel_loop3A_112] {strides = array<i32>} : memref<96x128xf32, #tpu.memory_space<vmem>>, vector<16xf32>,
        %parallel_loop3A_114 = arith.mulf %parallel_loop3A_113, %parallel_loop3A_89 : vector<16xf32>
        %parallel_loop3A_115 = arith.index_cast %parallel_loop3A_87 : i32 to index
        %parallel_loop3A_116 = arith.constant 48 : index
        %parallel_loop3A_117 = tpu.vector_load %arg12[%parallel_loop3A_115, %parallel_loop3A_116] {strides = array<i32>} : memref<96x128xf32, #tpu.memory_space<vmem>>, vector<16xf32>,
        tpu.vector_store %arg12[%parallel_loop3A_115, %parallel_loop3A_116], %parallel_loop3A_114 {strides = array<i32>} : memref<96x128xf32, #tpu.memory_space<vmem>>, vector<16xf32>,
        %parallel_loop3A_118 = arith.index_cast %parallel_loop3A_87 : i32 to index
        %parallel_loop3A_119 = arith.constant 64 : index
        %parallel_loop3A_120 = tpu.vector_load %arg12[%parallel_loop3A_118, %parallel_loop3A_119] {strides = array<i32>} : memref<96x128xf32, #tpu.memory_space<vmem>>, vector<16xf32>,
        %parallel_loop3A_121 = arith.mulf %parallel_loop3A_120, %parallel_loop3A_89 : vector<16xf32>
        %parallel_loop3A_122 = arith.index_cast %parallel_loop3A_87 : i32 to index
        %parallel_loop3A_123 = arith.constant 64 : index
        %parallel_loop3A_124 = tpu.vector_load %arg12[%parallel_loop3A_122, %parallel_loop3A_123] {strides = array<i32>} : memref<96x128xf32, #tpu.memory_space<vmem>>, vector<16xf32>,
        tpu.vector_store %arg12[%parallel_loop3A_122, %parallel_loop3A_123], %parallel_loop3A_121 {strides = array<i32>} : memref<96x128xf32, #tpu.memory_space<vmem>>, vector<16xf32>,
        %parallel_loop3A_125 = arith.index_cast %parallel_loop3A_87 : i32 to index
        %parallel_loop3A_126 = arith.constant 80 : index
        %parallel_loop3A_127 = tpu.vector_load %arg12[%parallel_loop3A_125, %parallel_loop3A_126] {strides = array<i32>} : memref<96x128xf32, #tpu.memory_space<vmem>>, vector<16xf32>,
        %parallel_loop3A_128 = arith.mulf %parallel_loop3A_127, %parallel_loop3A_89 : vector<16xf32>
        %parallel_loop3A_129 = arith.index_cast %parallel_loop3A_87 : i32 to index
        %parallel_loop3A_130 = arith.constant 80 : index
        %parallel_loop3A_131 = tpu.vector_load %arg12[%parallel_loop3A_129, %parallel_loop3A_130] {strides = array<i32>} : memref<96x128xf32, #tpu.memory_space<vmem>>, vector<16xf32>,
        tpu.vector_store %arg12[%parallel_loop3A_129, %parallel_loop3A_130], %parallel_loop3A_128 {strides = array<i32>} : memref<96x128xf32, #tpu.memory_space<vmem>>, vector<16xf32>,
        %parallel_loop3A_132 = arith.index_cast %parallel_loop3A_87 : i32 to index
        %parallel_loop3A_133 = arith.constant 96 : index
        %parallel_loop3A_134 = tpu.vector_load %arg12[%parallel_loop3A_132, %parallel_loop3A_133] {strides = array<i32>} : memref<96x128xf32, #tpu.memory_space<vmem>>, vector<16xf32>,
        %parallel_loop3A_135 = arith.mulf %parallel_loop3A_134, %parallel_loop3A_89 : vector<16xf32>
        %parallel_loop3A_136 = arith.index_cast %parallel_loop3A_87 : i32 to index
        %parallel_loop3A_137 = arith.constant 96 : index
        %parallel_loop3A_138 = tpu.vector_load %arg12[%parallel_loop3A_136, %parallel_loop3A_137] {strides = array<i32>} : memref<96x128xf32, #tpu.memory_space<vmem>>, vector<16xf32>,
        tpu.vector_store %arg12[%parallel_loop3A_136, %parallel_loop3A_137], %parallel_loop3A_135 {strides = array<i32>} : memref<96x128xf32, #tpu.memory_space<vmem>>, vector<16xf32>,
        %parallel_loop3A_139 = arith.index_cast %parallel_loop3A_87 : i32 to index
        %parallel_loop3A_140 = arith.constant 112 : index
        %parallel_loop3A_141 = tpu.vector_load %arg12[%parallel_loop3A_139, %parallel_loop3A_140] {strides = array<i32>} : memref<96x128xf32, #tpu.memory_space<vmem>>, vector<16xf32>,
        %parallel_loop3A_142 = arith.mulf %parallel_loop3A_141, %parallel_loop3A_89 : vector<16xf32>
        %parallel_loop3A_143 = arith.index_cast %parallel_loop3A_87 : i32 to index
        %parallel_loop3A_144 = arith.constant 112 : index
        %parallel_loop3A_145 = tpu.vector_load %arg12[%parallel_loop3A_143, %parallel_loop3A_144] {strides = array<i32>} : memref<96x128xf32, #tpu.memory_space<vmem>>, vector<16xf32>,
        tpu.vector_store %arg12[%parallel_loop3A_143, %parallel_loop3A_144], %parallel_loop3A_142 {strides = array<i32>} : memref<96x128xf32, #tpu.memory_space<vmem>>, vector<16xf32>,
      } {sc.loop_unroll_factor = 4 : i64, sc.parallel_access}
      %add3A_85 = arith.constant 1 : i32
      %add3A_86 = arith.addi %mul3A_44, %add3A_85 : i32
      "tpu.region"() ({
        %run_scoped3A_87 = tpu.sem_alloc : memref<!tpu.dma_semaphore, #tpu.memory_space<semaphore_mem>>
        %dma_start3A_88 = arith.constant 0 : i32
        %dma_start3A_89 = tpu.memref_slice %arg9[%add3A_86, %dma_start3A_88] : memref<53x96xi32, #tpu.memory_space<vmem>> -> memref<1x96xi32, #tpu.memory_space<vmem>>
        %dma_start3A_90 = tpu.memref_squeeze %dma_start3A_89 : memref<1x96xi32, #tpu.memory_space<vmem>> -> memref<96xi32, #tpu.memory_space<vmem>>
        %dma_start3A_91 = arith.constant 0 : i32
        %dma_start3A_92 = arith.constant 0 : i32
        %dma_start3A_93 = tpu.memref_slice %arg15[%dma_start3A_91, %dma_start3A_92] : memref<10240x128xf32, #tpu.memory_space<vmem_shared>> -> memref<10240x128xf32, #tpu.memory_space<vmem_shared>>
        tpu.enqueue_indirect_dma source(%arg12 : memref<96x128xf32, #tpu.memory_space<vmem>>) target(%dma_start3A_93 : memref<10240x128xf32, #tpu.memory_space<vmem_shared>>) offsets(%dma_start3A_90 : memref<96xi32, #tpu.memory_space<vmem>>) semaphore(%run_scoped3A_87 : memref<!tpu.dma_semaphore, #tpu.memory_space<semaphore_mem>>) {add = true}
        %dma_wait3A_94 = arith.constant 0 : i32
        %dma_wait3A_95 = tpu.memref_slice %arg9[%add3A_86, %dma_wait3A_94] : memref<53x96xi32, #tpu.memory_space<vmem>> -> memref<1x96xi32, #tpu.memory_space<vmem>>
        %dma_wait3A_96 = tpu.memref_squeeze %dma_wait3A_95 : memref<1x96xi32, #tpu.memory_space<vmem>> -> memref<96xi32, #tpu.memory_space<vmem>>
        %dma_wait3A_97 = arith.constant 0 : i32
        %dma_wait3A_98 = arith.constant 0 : i32
        %dma_wait3A_99 = tpu.memref_slice %arg15[%dma_wait3A_97, %dma_wait3A_98] : memref<10240x128xf32, #tpu.memory_space<vmem_shared>> -> memref<10240x128xf32, #tpu.memory_space<vmem_shared>>
        tpu.wait_indirect_dma semaphore(%run_scoped3A_87 : memref<!tpu.dma_semaphore, #tpu.memory_space<semaphore_mem>>) src(%arg12 : memref<96x128xf32, #tpu.memory_space<vmem>>) dst(%dma_wait3A_99 : memref<10240x128xf32, #tpu.memory_space<vmem_shared>>)
        tpu.yield
      }) : () -> ()
    }
    %scan3A_21 = arith.constant 26 : i32
    %dma_wait3A = arith.constant 52 : i32
    %dma_wait3A_22 = arith.constant 0 : i32
    %dma_wait3A_23 = tpu.memref_slice %arg8[%dma_wait3A, %dma_wait3A_22] : memref<53x96xi32, #tpu.memory_space<vmem>> -> memref<1x96xi32, #tpu.memory_space<vmem>>
    %dma_wait3A_24 = tpu.memref_squeeze %dma_wait3A_23 : memref<1x96xi32, #tpu.memory_space<vmem>> -> memref<96xi32, #tpu.memory_space<vmem>>
    %dma_wait3A_25 = arith.constant 0 : i32
    %dma_wait3A_26 = arith.constant 0 : i32
    %dma_wait3A_27 = tpu.memref_slice %arg2[%dma_wait3A_25, %dma_wait3A_26] : memref<10000x128xf32, #tpu.memory_space<hbm>> -> memref<10000x128xf32, #tpu.memory_space<hbm>>
    tpu.wait_indirect_dma semaphore(%arg13 : memref<!tpu.dma_semaphore, #tpu.memory_space<semaphore_mem>>) src(%dma_wait3A_27 : memref<10000x128xf32, #tpu.memory_space<hbm>>) dst(%arg11 : memref<96x128xf32, #tpu.memory_space<vmem>>)
    %broadcast_in_dim3A_28 = arith.constant 52 : i32
    %broadcast_in_dim3A_29 = vector.broadcast %broadcast_in_dim3A_28 : i32 to vector<16xi32>
    %parallel_loop3A = arith.constant 0 : i32
    %parallel_loop3A_30 = arith.constant 96 : i32
    %parallel_loop3A_31 = arith.constant 1 : i32
    scf.for %parallel_loop3A_38 = %parallel_loop3A to %parallel_loop3A_30 step %parallel_loop3A_31  : i32 {
      %parallel_loop3A_39 = vector.broadcast %parallel_loop3A_38 : i32 to vector<16xi32>
      %parallel_loop3A_40 = tpu.vector_load_idx %arg10[%broadcast_in_dim3A_29, %parallel_loop3A_39] : memref<53x96xf32, #tpu.memory_space<vmem>>[vector<16xi32>, vector<16xi32>], vector<16xf32>,
      %parallel_loop3A_41 = arith.index_cast %parallel_loop3A_38 : i32 to index
      %parallel_loop3A_42 = arith.constant 0 : index
      %parallel_loop3A_43 = tpu.vector_load %arg11[%parallel_loop3A_41, %parallel_loop3A_42] {strides = array<i32>} : memref<96x128xf32, #tpu.memory_space<vmem>>, vector<16xf32>,
      %parallel_loop3A_44 = arith.mulf %parallel_loop3A_43, %parallel_loop3A_40 : vector<16xf32>
      %parallel_loop3A_45 = arith.index_cast %parallel_loop3A_38 : i32 to index
      %parallel_loop3A_46 = arith.constant 0 : index
      %parallel_loop3A_47 = tpu.vector_load %arg11[%parallel_loop3A_45, %parallel_loop3A_46] {strides = array<i32>} : memref<96x128xf32, #tpu.memory_space<vmem>>, vector<16xf32>,
      tpu.vector_store %arg11[%parallel_loop3A_45, %parallel_loop3A_46], %parallel_loop3A_44 {strides = array<i32>} : memref<96x128xf32, #tpu.memory_space<vmem>>, vector<16xf32>,
      %parallel_loop3A_48 = arith.index_cast %parallel_loop3A_38 : i32 to index
      %parallel_loop3A_49 = arith.constant 16 : index
      %parallel_loop3A_50 = tpu.vector_load %arg11[%parallel_loop3A_48, %parallel_loop3A_49] {strides = array<i32>} : memref<96x128xf32, #tpu.memory_space<vmem>>, vector<16xf32>,
      %parallel_loop3A_51 = arith.mulf %parallel_loop3A_50, %parallel_loop3A_40 : vector<16xf32>
      %parallel_loop3A_52 = arith.index_cast %parallel_loop3A_38 : i32 to index
      %parallel_loop3A_53 = arith.constant 16 : index
      %parallel_loop3A_54 = tpu.vector_load %arg11[%parallel_loop3A_52, %parallel_loop3A_53] {strides = array<i32>} : memref<96x128xf32, #tpu.memory_space<vmem>>, vector<16xf32>,
      tpu.vector_store %arg11[%parallel_loop3A_52, %parallel_loop3A_53], %parallel_loop3A_51 {strides = array<i32>} : memref<96x128xf32, #tpu.memory_space<vmem>>, vector<16xf32>,
      %parallel_loop3A_55 = arith.index_cast %parallel_loop3A_38 : i32 to index
      %parallel_loop3A_56 = arith.constant 32 : index
      %parallel_loop3A_57 = tpu.vector_load %arg11[%parallel_loop3A_55, %parallel_loop3A_56] {strides = array<i32>} : memref<96x128xf32, #tpu.memory_space<vmem>>, vector<16xf32>,
      %parallel_loop3A_58 = arith.mulf %parallel_loop3A_57, %parallel_loop3A_40 : vector<16xf32>
      %parallel_loop3A_59 = arith.index_cast %parallel_loop3A_38 : i32 to index
      %parallel_loop3A_60 = arith.constant 32 : index
      %parallel_loop3A_61 = tpu.vector_load %arg11[%parallel_loop3A_59, %parallel_loop3A_60] {strides = array<i32>} : memref<96x128xf32, #tpu.memory_space<vmem>>, vector<16xf32>,
      tpu.vector_store %arg11[%parallel_loop3A_59, %parallel_loop3A_60], %parallel_loop3A_58 {strides = array<i32>} : memref<96x128xf32, #tpu.memory_space<vmem>>, vector<16xf32>,
      %parallel_loop3A_62 = arith.index_cast %parallel_loop3A_38 : i32 to index
      %parallel_loop3A_63 = arith.constant 48 : index
      %parallel_loop3A_64 = tpu.vector_load %arg11[%parallel_loop3A_62, %parallel_loop3A_63] {strides = array<i32>} : memref<96x128xf32, #tpu.memory_space<vmem>>, vector<16xf32>,
      %parallel_loop3A_65 = arith.mulf %parallel_loop3A_64, %parallel_loop3A_40 : vector<16xf32>
      %parallel_loop3A_66 = arith.index_cast %parallel_loop3A_38 : i32 to index
      %parallel_loop3A_67 = arith.constant 48 : index
      %parallel_loop3A_68 = tpu.vector_load %arg11[%parallel_loop3A_66, %parallel_loop3A_67] {strides = array<i32>} : memref<96x128xf32, #tpu.memory_space<vmem>>, vector<16xf32>,
      tpu.vector_store %arg11[%parallel_loop3A_66, %parallel_loop3A_67], %parallel_loop3A_65 {strides = array<i32>} : memref<96x128xf32, #tpu.memory_space<vmem>>, vector<16xf32>,
      %parallel_loop3A_69 = arith.index_cast %parallel_loop3A_38 : i32 to index
      %parallel_loop3A_70 = arith.constant 64 : index
      %parallel_loop3A_71 = tpu.vector_load %arg11[%parallel_loop3A_69, %parallel_loop3A_70] {strides = array<i32>} : memref<96x128xf32, #tpu.memory_space<vmem>>, vector<16xf32>,
      %parallel_loop3A_72 = arith.mulf %parallel_loop3A_71, %parallel_loop3A_40 : vector<16xf32>
      %parallel_loop3A_73 = arith.index_cast %parallel_loop3A_38 : i32 to index
      %parallel_loop3A_74 = arith.constant 64 : index
      %parallel_loop3A_75 = tpu.vector_load %arg11[%parallel_loop3A_73, %parallel_loop3A_74] {strides = array<i32>} : memref<96x128xf32, #tpu.memory_space<vmem>>, vector<16xf32>,
      tpu.vector_store %arg11[%parallel_loop3A_73, %parallel_loop3A_74], %parallel_loop3A_72 {strides = array<i32>} : memref<96x128xf32, #tpu.memory_space<vmem>>, vector<16xf32>,
      %parallel_loop3A_76 = arith.index_cast %parallel_loop3A_38 : i32 to index
      %parallel_loop3A_77 = arith.constant 80 : index
      %parallel_loop3A_78 = tpu.vector_load %arg11[%parallel_loop3A_76, %parallel_loop3A_77] {strides = array<i32>} : memref<96x128xf32, #tpu.memory_space<vmem>>, vector<16xf32>,
      %parallel_loop3A_79 = arith.mulf %parallel_loop3A_78, %parallel_loop3A_40 : vector<16xf32>
      %parallel_loop3A_80 = arith.index_cast %parallel_loop3A_38 : i32 to index
      %parallel_loop3A_81 = arith.constant 80 : index
      %parallel_loop3A_82 = tpu.vector_load %arg11[%parallel_loop3A_80, %parallel_loop3A_81] {strides = array<i32>} : memref<96x128xf32, #tpu.memory_space<vmem>>, vector<16xf32>,
      tpu.vector_store %arg11[%parallel_loop3A_80, %parallel_loop3A_81], %parallel_loop3A_79 {strides = array<i32>} : memref<96x128xf32, #tpu.memory_space<vmem>>, vector<16xf32>,
      %parallel_loop3A_83 = arith.index_cast %parallel_loop3A_38 : i32 to index
      %parallel_loop3A_84 = arith.constant 96 : index
      %parallel_loop3A_85 = tpu.vector_load %arg11[%parallel_loop3A_83, %parallel_loop3A_84] {strides = array<i32>} : memref<96x128xf32, #tpu.memory_space<vmem>>, vector<16xf32>,
      %parallel_loop3A_86 = arith.mulf %parallel_loop3A_85, %parallel_loop3A_40 : vector<16xf32>
      %parallel_loop3A_87 = arith.index_cast %parallel_loop3A_38 : i32 to index
      %parallel_loop3A_88 = arith.constant 96 : index
      %parallel_loop3A_89 = tpu.vector_load %arg11[%parallel_loop3A_87, %parallel_loop3A_88] {strides = array<i32>} : memref<96x128xf32, #tpu.memory_space<vmem>>, vector<16xf32>,
      tpu.vector_store %arg11[%parallel_loop3A_87, %parallel_loop3A_88], %parallel_loop3A_86 {strides = array<i32>} : memref<96x128xf32, #tpu.memory_space<vmem>>, vector<16xf32>,
      %parallel_loop3A_90 = arith.index_cast %parallel_loop3A_38 : i32 to index
      %parallel_loop3A_91 = arith.constant 112 : index
      %parallel_loop3A_92 = tpu.vector_load %arg11[%parallel_loop3A_90, %parallel_loop3A_91] {strides = array<i32>} : memref<96x128xf32, #tpu.memory_space<vmem>>, vector<16xf32>,
      %parallel_loop3A_93 = arith.mulf %parallel_loop3A_92, %parallel_loop3A_40 : vector<16xf32>
      %parallel_loop3A_94 = arith.index_cast %parallel_loop3A_38 : i32 to index
      %parallel_loop3A_95 = arith.constant 112 : index
      %parallel_loop3A_96 = tpu.vector_load %arg11[%parallel_loop3A_94, %parallel_loop3A_95] {strides = array<i32>} : memref<96x128xf32, #tpu.memory_space<vmem>>, vector<16xf32>,
      tpu.vector_store %arg11[%parallel_loop3A_94, %parallel_loop3A_95], %parallel_loop3A_93 {strides = array<i32>} : memref<96x128xf32, #tpu.memory_space<vmem>>, vector<16xf32>,
    } {sc.loop_unroll_factor = 4 : i64, sc.parallel_access}
    %run_scoped3A = arith.constant 52 : i32
    "tpu.region"() ({
      %run_scoped3A_38 = tpu.sem_alloc : memref<!tpu.dma_semaphore, #tpu.memory_space<semaphore_mem>>
      %dma_start3A_39 = arith.constant 0 : i32
      %dma_start3A_40 = tpu.memref_slice %arg9[%run_scoped3A, %dma_start3A_39] : memref<53x96xi32, #tpu.memory_space<vmem>> -> memref<1x96xi32, #tpu.memory_space<vmem>>
      %dma_start3A_41 = tpu.memref_squeeze %dma_start3A_40 : memref<1x96xi32, #tpu.memory_space<vmem>> -> memref<96xi32, #tpu.memory_space<vmem>>
      %dma_start3A_42 = arith.constant 0 : i32
      %dma_start3A_43 = arith.constant 0 : i32
      %dma_start3A_44 = tpu.memref_slice %arg15[%dma_start3A_42, %dma_start3A_43] : memref<10240x128xf32, #tpu.memory_space<vmem_shared>> -> memref<10240x128xf32, #tpu.memory_space<vmem_shared>>
      tpu.enqueue_indirect_dma source(%arg11 : memref<96x128xf32, #tpu.memory_space<vmem>>) target(%dma_start3A_44 : memref<10240x128xf32, #tpu.memory_space<vmem_shared>>) offsets(%dma_start3A_41 : memref<96xi32, #tpu.memory_space<vmem>>) semaphore(%run_scoped3A_38 : memref<!tpu.dma_semaphore, #tpu.memory_space<semaphore_mem>>) {add = true}
      %dma_wait3A_45 = arith.constant 0 : i32
      %dma_wait3A_46 = tpu.memref_slice %arg9[%run_scoped3A, %dma_wait3A_45] : memref<53x96xi32, #tpu.memory_space<vmem>> -> memref<1x96xi32, #tpu.memory_space<vmem>>
      %dma_wait3A_47 = tpu.memref_squeeze %dma_wait3A_46 : memref<1x96xi32, #tpu.memory_space<vmem>> -> memref<96xi32, #tpu.memory_space<vmem>>
      %dma_wait3A_48 = arith.constant 0 : i32
      %dma_wait3A_49 = arith.constant 0 : i32
      %dma_wait3A_50 = tpu.memref_slice %arg15[%dma_wait3A_48, %dma_wait3A_49] : memref<10240x128xf32, #tpu.memory_space<vmem_shared>> -> memref<10240x128xf32, #tpu.memory_space<vmem_shared>>
      tpu.wait_indirect_dma semaphore(%run_scoped3A_38 : memref<!tpu.dma_semaphore, #tpu.memory_space<semaphore_mem>>) src(%arg11 : memref<96x128xf32, #tpu.memory_space<vmem>>) dst(%dma_wait3A_50 : memref<10240x128xf32, #tpu.memory_space<vmem_shared>>)
      tpu.yield
    }) : () -> ()
    %barrier3A_32 = arith.constant 0 : index
    tpu.barrier barrier_id(%barrier3A_32)
    %scan3A_33 = arith.constant 0 : i32
    %scan3A_34 = arith.constant 10 : i32
    %scan3A_35 = arith.addi %scan3A_33, %scan3A_34 : i32
    %scan3A_36 = arith.constant 1 : i32
    scf.for %scan3A_38 = %scan3A_33 to %scan3A_35 step %scan3A_36  : i32 {
      %mul3A_39 = arith.constant 1 : i32
      %mul3A_40 = arith.muli %scan3A_38, %mul3A_39 : i32
      %add3A_41 = arith.constant 0 : i32
      %add3A_42 = arith.addi %add3A_41, %mul3A_40 : i32
      %mul3A_43 = arith.constant 640 : i32
      %mul3A_44 = arith.muli %arg1, %mul3A_43 : i32
      %mul3A_45 = arith.constant 64 : i32
      %mul3A_46 = arith.muli %add3A_42, %mul3A_45 : i32
      %add3A_47 = arith.addi %mul3A_44, %mul3A_46 : i32
      %eq3A = arith.constant 0 : i32
      %eq3A_48 = arith.cmpi eq, %arg0, %eq3A : i32
      %convert_element_type3A = arith.extui %eq3A_48 : i1 to i32
      %cond3A = arith.constant 0 : i32
      %cond3A_49 = arith.cmpi ne, %convert_element_type3A, %cond3A : i32
      scf.if %cond3A_49 {
        "tpu.region"() ({
          %run_scoped3A_55 = tpu.sem_alloc : memref<!tpu.dma_semaphore, #tpu.memory_space<semaphore_mem>>
          %dma_start3A_56 = arith.constant 0 : i32
          %dma_start3A_57 = tpu.memref_slice %arg6[%add3A_47, %dma_start3A_56] : memref<10240x128xf32, #tpu.memory_space<hbm>> -> memref<64x128xf32, #tpu.memory_space<hbm>>
          %dma_start3A_58 = arith.constant 0 : i32
          %dma_start3A_59 = tpu.memref_slice %arg15[%add3A_47, %dma_start3A_58] : memref<10240x128xf32, #tpu.memory_space<vmem_shared>> -> memref<64x128xf32, #tpu.memory_space<vmem_shared>>
          tpu.enqueue_dma source(%dma_start3A_59 : memref<64x128xf32, #tpu.memory_space<vmem_shared>>) target(%dma_start3A_57 : memref<64x128xf32, #tpu.memory_space<hbm>>) target_semaphore(%run_scoped3A_55 : memref<!tpu.dma_semaphore, #tpu.memory_space<semaphore_mem>>)
          %dma_wait3A_60 = arith.constant 0 : i32
          %dma_wait3A_61 = tpu.memref_slice %arg6[%add3A_47, %dma_wait3A_60] : memref<10240x128xf32, #tpu.memory_space<hbm>> -> memref<64x128xf32, #tpu.memory_space<hbm>>
          %dma_wait3A_62 = arith.constant 0 : i32
          %dma_wait3A_63 = tpu.memref_slice %arg15[%add3A_47, %dma_wait3A_62] : memref<10240x128xf32, #tpu.memory_space<vmem_shared>> -> memref<64x128xf32, #tpu.memory_space<vmem_shared>>
          tpu.wait_dma2 semaphore(%run_scoped3A_55 : memref<!tpu.dma_semaphore, #tpu.memory_space<semaphore_mem>>) src(%dma_wait3A_63 : memref<64x128xf32, #tpu.memory_space<vmem_shared>>) dst(%dma_wait3A_61 : memref<64x128xf32, #tpu.memory_space<hbm>>)
          tpu.yield
        }) : () -> ()
      } else {
      }
      %eq3A_50 = arith.constant 1 : i32
      %eq3A_51 = arith.cmpi eq, %arg0, %eq3A_50 : i32
      %convert_element_type3A_52 = arith.extui %eq3A_51 : i1 to i32
      %cond3A_53 = arith.constant 0 : i32
      %cond3A_54 = arith.cmpi ne, %convert_element_type3A_52, %cond3A_53 : i32
      scf.if %cond3A_54 {
        "tpu.region"() ({
          %run_scoped3A_55 = tpu.sem_alloc : memref<!tpu.dma_semaphore, #tpu.memory_space<semaphore_mem>>
          %dma_start3A_56 = arith.constant 0 : i32
          %dma_start3A_57 = tpu.memref_slice %arg7[%add3A_47, %dma_start3A_56] : memref<10240x128xf32, #tpu.memory_space<hbm>> -> memref<64x128xf32, #tpu.memory_space<hbm>>
          %dma_start3A_58 = arith.constant 0 : i32
          %dma_start3A_59 = tpu.memref_slice %arg15[%add3A_47, %dma_start3A_58] : memref<10240x128xf32, #tpu.memory_space<vmem_shared>> -> memref<64x128xf32, #tpu.memory_space<vmem_shared>>
          tpu.enqueue_dma source(%dma_start3A_59 : memref<64x128xf32, #tpu.memory_space<vmem_shared>>) target(%dma_start3A_57 : memref<64x128xf32, #tpu.memory_space<hbm>>) target_semaphore(%run_scoped3A_55 : memref<!tpu.dma_semaphore, #tpu.memory_space<semaphore_mem>>)
          %dma_wait3A_60 = arith.constant 0 : i32
          %dma_wait3A_61 = tpu.memref_slice %arg7[%add3A_47, %dma_wait3A_60] : memref<10240x128xf32, #tpu.memory_space<hbm>> -> memref<64x128xf32, #tpu.memory_space<hbm>>
          %dma_wait3A_62 = arith.constant 0 : i32
          %dma_wait3A_63 = tpu.memref_slice %arg15[%add3A_47, %dma_wait3A_62] : memref<10240x128xf32, #tpu.memory_space<vmem_shared>> -> memref<64x128xf32, #tpu.memory_space<vmem_shared>>
          tpu.wait_dma2 semaphore(%run_scoped3A_55 : memref<!tpu.dma_semaphore, #tpu.memory_space<semaphore_mem>>) src(%dma_wait3A_63 : memref<64x128xf32, #tpu.memory_space<vmem_shared>>) dst(%dma_wait3A_61 : memref<64x128xf32, #tpu.memory_space<hbm>>)
          tpu.yield
        }) : () -> ()
      } else {
      }
    }
    %scan3A_37 = arith.constant 10 : i32
    return
  }
}

</mosaic_0001>

<sc_bundles>
// kernel: _sc_segsum.3.cloned.1.call-start
scs
__scs_entry_jumppad:
0x0: {  	(pc) =	sbr.rel $0x88, $3  }
0x1: {  	(tag) =	ssettag $0x0;
	lr =	simm.s32 $0x1  }
0x2: {  	[smem:$0x3F9D] =	sst lr;
	_ =	strace $0xD0000000  }
0x3: {  	_ = 	snop  }
0x4: {  	_ = 	snop  }
0x5: {  	_ = 	snop  }
0x6: {  	_ = 	snop  }
0x7: {  	_ = 	snop  }
__scs_overlays_trampoline_lowered:
0x8: {  	[smem:$0x3FAC] =	sst s0  }
0x9: {  	[smem:$0x3FAD] =	sst s1  }
0xa: {  	[smem:$0x3FAE] =	sst s2  }
0xb: {  	[smem:$0x3FAF] =	sst s3  }
0xc: {  	[smem:$0x3FB0] =	sst s4  }
0xd: {  	[smem:$0x3FB1] =	sst s5  }
0xe: {  	[smem:$0x3FB2] =	sst s6  }
0xf: {  	[smem:$0x3FB3] =	sst s7  }
0x10: {  	[smem:$0x3FB4] =	sst s8  }
0x11: {  	[smem:$0x3FB5] =	sst s9;
	s0 =	simm.s32 @!p0 $0x0  }
0x12: {  	s1 =	sld [smem:$0x3F9B];
	s0 =	simm.s32 @p0 $0x1  }
0x13: {  	[smem:$0x3FB6] =	sst s0;
	s0 =	simm.s32 @!p1 $0x0  }
0x14: {  	s2 =	sld [smem:$0x3F9A];
	s0 =	simm.s32 @p1 $0x1  }
0x15: {  	[smem:$0x3FB7] =	sst s0;
	s0 =	simm.s32 @!p2 $0x0  }
0x16: {  	s3 =	sld [smem:$0x3FDB];
	s0 =	simm.s32 @p2 $0x1  }
0x17: {  	s4 =	simm.s32 $0x1BF5;
	[smem:$0x3FB9] =	sst s0  }
0x18: {  	s0 =	sld [smem:$0x3F9C];
	_ =	swait.ge [sflag:s4], $0x0  }
0x19: {  	s7 =	sld [smem:$0x3F9D]  }
0x1a: {  	s8 =	sadd.s32 $0xFFFFE003, lr  }
0x1b: {  	s9 =	sadd.s32 $0xFFFFFEF7, lr;
	s5 =	simm.s32 $0xFFFFFFFF;
	p2 =	slt.u32 s8, $0xFFFFF086  }
0x1c: {  	p1 =	slt.u32 s9, $0xF7A;
	s5 =	simm.s32 @!p2 $0x0  }
0x1d: {  	s5 =	simm.s32 @p1 $0x1;
	p0 =	seq.s32 s7, s2  }
0x1e: {  	s7 =	smul.u32 @!p0 $0xF7A, s2;
	p2 =	seq.s32 @!p0 s5, $0x0  }
0x1f: {  	s9 =	smul.u32 $0xF7A, s1;
	s8 =	simm.s32 @!p0 $0x1BF5;
	p2 =	por !p2, p0  }
0x20: {  	[sflag:s8] =	ssyncset.s32 @!p0 $0xFFFFF086;
	s6 =	sadd.s32 @!p0 s3, s7;
	s7 =	simm.s32 @!p0 $0x108  }
0x21: {  	s3 =	sadd.s32 s3, s9;
	s6 =	sadd.s32 @!p0 $0x88, s6;
	s7 =	simm.s32 @p2 $0x1082  }
0x22: {  	[simem:s7], [sflag:s8] =	dma.local @!p0 [hbm:s6], $0xF7A  }
0x23: {  	s9 =	sor.u32 $0xD0000000, s2;
	s6 =	simm.s32 $0x108;
	_ =	swait.ge @!p0 [sflag:s8], $0x0  }
0x24: {  	s3 =	sadd.s32 $0x88, s3;
	s6 =	simm.s32 @!p1 $0x1082;
	[sflag:s4] =	ssyncset.s32 $0xFFFFF086  }
0x25: {  	[simem:s6], [sflag:s4] =	dma.local [hbm:s3], $0xF7A  }
0x26: {  	[smem:$0x3F9D] =	sst s1;
	(tag) =	ssettag s2;
	_ =	strace s9  }
0x27: {  	s1 =	sld [smem:$0x3FAD]  }
0x28: {  	s2 =	sld [smem:$0x3FAE]  }
0x29: {  	s4 =	sld [smem:$0x3FB0]  }
0x2a: {  	p0 =	seq.s32 s5, $0x0;
	s5 =	sld [smem:$0x3FB1]  }
0x2b: {  	s6 =	sld [smem:$0x3FB2]  }
0x2c: {  	s7 =	sld [smem:$0x3FB3]  }
0x2d: {  	s3 =	simm.s32 $0x108;
	s8 =	sld [smem:$0x3FB4]  }
0x2e: {  	s3 =	simm.s32 @!p0 $0x1082;
	s9 =	sld [smem:$0x3FB5]  }
0x2f: {  	lr =	sadd.s32 s0, s3;
	s0 =	sld [smem:$0x3FAC]  }
0x30: {  	s3 =	sld [smem:$0x3FAF]  }
0x31: {  	[smem:$0x3FB8] =	sst s10  }
0x32: {  	s10 =	sld [smem:$0x3FB6];
	_ =	sdelay $0x3  }
0x33: {  	p0 =	seq.s32 s10, $0x1;
	s10 =	sld [smem:$0x3FB8];
	_ =	sdelay $0x3  }
0x34: {  	[smem:$0x3FB8] =	sst s10  }
0x35: {  	s10 =	sld [smem:$0x3FB7];
	_ =	sdelay $0x3  }
0x36: {  	p1 =	seq.s32 s10, $0x1;
	s10 =	sld [smem:$0x3FB8];
	_ =	sdelay $0x3  }
0x37: {  	[smem:$0x3FB8] =	sst s10  }
0x38: {  	s10 =	sld [smem:$0x3FB9]  }
0x39: {  	_ = 	snop;
	(pc) =	sbr.ind lr, $3  }
0x3a: {  	_ = 	snop  }
0x3b: {  	_ = 	snop  }
0x3c: {  	p2 =	seq.s32 s10, $0x1;
	s10 =	sld [smem:$0x3FB8]  }
0x3d: {  	_ =	shalt  }
0x3e: {  	_ =	shalt  }
0x3f: {  	_ =	shalt  }
0x40: {  	_ =	shalt  }
0x41: {  	_ =	shalt  }
0x42: {  	_ =	shalt  }
0x43: {  	_ =	shalt  }
0x44: {  	_ =	shalt  }
0x45: {  	_ =	shalt  }
0x46: {  	_ =	shalt  }
0x47: {  	_ =	shalt  }
0x48: {  	_ =	shalt  }
0x49: {  	_ =	shalt  }
0x4a: {  	_ =	shalt  }
0x4b: {  	_ =	shalt  }
0x4c: {  	_ =	shalt  }
0x4d: {  	_ =	shalt  }
0x4e: {  	_ =	shalt  }
0x4f: {  	_ =	shalt  }
0x50: {  	_ =	shalt  }
0x51: {  	_ =	shalt  }
0x52: {  	_ =	shalt  }
0x53: {  	_ =	shalt  }
0x54: {  	_ =	shalt  }
0x55: {  	_ =	shalt  }
0x56: {  	_ =	shalt  }
0x57: {  	_ =	shalt  }
0x58: {  	_ =	shalt  }
0x59: {  	_ =	shalt  }
0x5a: {  	_ =	shalt  }
0x5b: {  	_ =	shalt  }
0x5c: {  	_ =	shalt  }
0x5d: {  	_ =	shalt  }
0x5e: {  	_ =	shalt  }
0x5f: {  	_ =	shalt  }
0x60: {  	_ =	shalt  }
0x61: {  	_ =	shalt  }
0x62: {  	_ =	shalt  }
0x63: {  	_ =	shalt  }
0x64: {  	_ =	shalt  }
0x65: {  	_ =	shalt  }
0x66: {  	_ =	shalt  }
0x67: {  	_ =	shalt  }
0x68: {  	_ =	shalt  }
0x69: {  	_ =	shalt  }
0x6a: {  	_ =	shalt  }
0x6b: {  	_ =	shalt  }
0x6c: {  	_ =	shalt  }
0x6d: {  	_ =	shalt  }
0x6e: {  	_ =	shalt  }
0x6f: {  	_ =	shalt  }
0x70: {  	_ =	shalt  }
0x71: {  	_ =	shalt  }
0x72: {  	_ =	shalt  }
0x73: {  	_ =	shalt  }
0x74: {  	_ =	shalt  }
0x75: {  	_ =	shalt  }
0x76: {  	_ =	shalt  }
0x77: {  	_ =	shalt  }
0x78: {  	_ =	shalt  }
0x79: {  	_ =	shalt  }
0x7a: {  	_ =	shalt  }
0x7b: {  	_ =	shalt  }
0x7c: {  	_ =	shalt  }
0x7d: {  	_ =	shalt  }
0x7e: {  	_ =	shalt  }
0x7f: {  	_ =	shalt  }
0x80: {  	_ =	shalt  }
0x81: {  	_ =	shalt  }
0x82: {  	_ =	shalt  }
0x83: {  	_ =	shalt  }
0x84: {  	_ =	shalt  }
0x85: {  	_ =	shalt  }
0x86: {  	_ =	shalt  }
0x87: {  	_ =	shalt  }
.Lfunc_end0:
.L_simem_size_0:
called_computation_lowered:
.L_overlay_start_0:
0x88: {  	s2 =	sld [smem:$0x3FD9]  }
0x89: {  	s3 =	sld [smem:$0x3FFE];
	_ =	sdelay $0x1  }
0x8a: {  	s1 =	srdreg.scid  }
0x8b: {  	s0 =	sand.u32 $0x1, s1  }
0x8c: {  	s14 =	sshll.u32 s0, $0xA;
	s2 =	sadd.s32 s3, s2  }
0x8d: {  	s2 =	sadd.s32 s2, s14  }
0x8e: {  	[smem:$0x3FC4] =	sst s2  }
0x8f: {  	_ = 	snop  }
0x90: {  	s2 =	sld [smem:$0x3FD0];
	_ =	sdelay $0x2  }
0x91: {  	s4 =	simm.s32 $0xA;
	s5 =	simm.s32 $0x10;
	s15 =	sld [smem:$0x3FC9]  }
0x92: {  	[smem:s5], [sflag:s4] =	dma.local [hbm:s2], $0x1  }
0x93: {  	_ =	swait.eq [sflag:s4], $0x1  }
0x94: {  	[sflag:s4] =	ssyncset.done $0x0  }
0x95: {  	s16 =	sld [smem:$0x10];
	[sflag:s4] =	ssyncadd.s32 $0xFFFFFFFF  }
0x96: {  	s17 =	sld [smem:$0x11];
	(tm) =	ssettm $0x1  }
0x97: {  	s18 =	sld [smem:$0x3FFB];
	_ =	sdelay $0x3  }
0x98: {  	_ =	strace s18  }
0x99: {  	s5 =	sld [smem:$0x3FFC];
	_ =	sdelay $0x3  }
0x9a: {  	_ =	strace s5  }
0x9b: {  	s5 =	sld [smem:$0x3FFD];
	_ =	sdelay $0x3  }
0x9c: {  	_ =	strace s5  }
0x9d: {  	_ =	strace $0x8FFFFFFF  }
0x9e: {  	s19 =	sld [smem:$0x3FDB];
	_ =	sdelay $0x1  }
0x9f: {  	s6 =	simm.s32 $_scs_section_size  }
0xa0: {  	s7 =	simm.s32 $_size__tile_overlayer_lowered;
	s8 =	simm.s32 $_tile_overlayer_lowered  }
0xa1: {  	s22 =	simm.s32 $0x1BFF;
	s21 =	sshll.u32 s8, $0x1;
	s5 =	sadd.s32 s6, s19  }
0xa2: {  	s9 =	simm.s32 $0x0;
	s20 =	sshll.u32 s7, $0x1;
	s7 =	sadd.s32 s21, s5  }
0xa3: {  	[timem:s9], [sflag:s22] =	dma.local [hbm:s7], s20  }
0xa4: {  	_ =	swait.ge [sflag:s22], s20  }
0xa5: {  	s6 =	ssub.s32 $0x0, s20;
	[sflag:s22] =	ssyncset.done $0x0  }
0xa6: {  	[sflag:s22] =	ssyncadd.s32 s6;
	_ =	sdelay $0x1  }
0xa7: {  	s23 =	simm.s32 $0x1B8B  }
0xa8: {  	_ =	swait.ge [sflag:s23], $0x1  }
0xa9: {  	[sflag:s23] =	ssyncset.done $0x0  }
0xaa: {  	s25 =	simm.s32 $0x1B8E;
	s24 =	sld [smem:$0x3FFE];
	[sflag:s23] =	ssyncadd.s32 $0xFFFFFFFF  }
0xab: {  	s26 =	simm.s32 $execute0_lowered;
	[smem:$0x3FD2] =	sst s25  }
0xac: {  	s7 =	sshll.u32 s26, $0x1;
	_ =	strace $0x80000046;
	[dreg:$0x1] =	wrdreg $0xFFFFFFFF  }
0xad: {  	s28 =	simm.s32 $_size_execute0_lowered;
	s5 =	sadd.s32 s5, s7;
	[dreg:$0x0] =	wrdreg $0x0  }
0xae: {  	s7 =	sshll.u32 s28, $0x1;
	[dreg:$0x2] =	wrdreg s5  }
0xaf: {  	[dreg:$0x3] =	wrdreg s7  }
0xb0: {  	[dreg:$0x4] =	wrdreg $0xC0  }
0xb1: {  	_ =	task [dreg:s9], $0x5FFFF  }
0xb2: {  	[dreg:$0x1] =	wrdreg $0xFFFFFFFF  }
0xb3: {  	[dreg:$0x0] =	wrdreg $0x60  }
0xb4: {  	[dreg:$0x2] =	wrdreg s15  }
0xb5: {  	[dreg:$0x3] =	wrdreg s24  }
0xb6: {  	[dreg:$0x4] =	wrdreg s16  }
0xb7: {  	[dreg:$0x5] =	wrdreg s17  }
0xb8: {  	[dreg:$0x6] =	wrdreg $0xB4000  }
0xb9: {  	[dreg:$0x7] =	wrdreg $0x9  }
0xba: {  	_ =	task.clear_ibuf [dreg:s9], $0x8FFFF;
	_ =	strace $0x90000046  }
0xbb: {  	s29 =	simm.s32 $0x9;
	_ =	strace $0x80000048  }
0xbc: {  	_ =	swait.ge [sflag:s29], $0x1  }
0xbd: {  	[sflag:s29] =	ssyncadd.s32 $0xFFFFFFFF  }
0xbe: {  	_ =	strace $0x90000048  }
0xbf: {  	_ =	sfence  }
0xc0: {  	s30 =	sld [smem:$0x0];
	_ =	sdelay $0x2  }
0xc1: {  	s31 =	sshll.u32 s1, $0xD;
	s1 =	sshrl.u32 s1, $0x2  }
0xc2: {  	s3 =	sand.u32 $0x4000, s31;
	s1 =	sadd.s32 s1, s30  }
0xc3: {  	s0 =	sor.u32 s3, s0;
	s1 =	sshll.u32 s1, $0x11  }
0xc4: {  	s0 =	sor.u32 s1, s0  }
0xc5: {  	s0 =	sadd.s32 $0x8F2B, s0  }
0xc6: {  	[sflag:s0] =	ssyncadd.remote.s32 $0x1  }
0xc7: {  	_ =	sfence.sel $0xFFFF  }
0xc8: {  	[dreg:$0x0] =	wrdreg $0xFFFFFFFF;
	(pc) =	sbr.abs _section_cstart, $3  }
0xc9: {  	[dreg:$0x1] =	wrdreg $0xFFFFFFFF  }
0xca: {  	_ =	task.clear_ibuf [dreg:s9], $0x2FFFF;
	_ =	strace $0x9FFFFFFF  }
0xcb: {  	(tm) =	ssettm $0x7FFFFFFF  }
tec
execute0_lowered:
.L_overlay_start_1:
0x0: {  	(tag) =	ssettag $0x1  }
0x1: {  	s1 =	rddreg [dreg:$0x0]  }
0x2: {  	s3 =	rddreg [dreg:$0x1]  }
0x3: {  	s2 =	rddreg [dreg:$0x2];
	s5 =	srdreg.scid  }
0x4: {  	s0 =	stileid.u32;
	s4 =	rddreg [dreg:$0x3];
	s28 =	simm.s32 $0x60  }
0x5: {  	s29 =	simm.s32 $0x8400;
	s30 =	simm.s32 $0x1;
	s31 =	simm.s32 $0x2  }
0x6: {  	s8 =	sand.u32 $0x1, s5;
	s6 =	sshll.u32 s0, $0x1;
	s10 =	smul.u32 $0x50000, s0  }
0x7: {  	s5 =	rddreg [dreg:$0x4];
	s12 =	smul.u32 $0x280, s0;
	s7 =	sor.u32 s8, s6  }
0x8: {  	s6 =	simm.s32 $0x0;
	s9 =	ssub.s32 $0x2, s8;
	p0 =	sne.s32 s8, $0x0  }
0x9: {  	s7 =	smul.u32 $0x380, s7;
	[smem:$0x7FF] =	sst s6;
	s11 =	sshrl.u32 s9, $0x1  }
0xa: {  	s21 =	sshrl.u32 s10, $0x2;
	s23 =	sor.u32 $0x40, s12;
	s26 =	sadd.s32 $0x80, s12  }
0xb: {  	s13 =	sadd.s32 $0xC0, s12;
	s15 =	sadd.s32 $0x100, s12;
	s18 =	sadd.s32 $0x140, s12  }
0xc: {  	s20 =	sadd.s32 $0x180, s12;
	_ =	strace $0x80000047;
	s9 =	ssub.s32 s9, s11  }
0xd: {  	s25 =	sshll.u32 s23, $0x7;
	s10 =	sshll.u32 s23, $0x4;
	s11 =	sshll.u32 s26, $0x7  }
0xe: {  	s14 =	sshll.u32 s13, $0x7;
	s9 =	smax.u32 s9, $0x1;
	[dreg:$0xa] =	wrdreg s10  }
0xf: {  	s17 =	sshll.u32 s15, $0x7;
	s10 =	sadd.s32 s11, s5;
	[dreg:$0x9] =	wrdreg s9  }
0x10: {  	s3 =	sadd.s32 s7, s3;
	s11 =	sshll.u32 s13, $0x4;
	[dreg:$0xb] =	wrdreg s10  }
0x11: {  	s19 =	sshll.u32 s18, $0x7;
	s22 =	sadd.s32 $0x600, s3;
	[dreg:$0xd] =	wrdreg s11  }
0x12: {  	s7 =	sadd.s32 s21, s5;
	s24 =	sadd.s32 $0x7600, s3;
	[dreg:$0x6] =	wrdreg s22  }
0x13: {  	s16 =	sadd.s32 s14, s5;
	s3 =	sadd.s32 $0xE600, s3;
	[dreg:$0x7] =	wrdreg s24  }
0x14: {  	s21 =	sshll.u32 s20, $0x7;
	s9 =	sshll.u32 s26, $0x4;
	[dreg:$0x8] =	wrdreg s3  }
0x15: {  	s20 =	sshll.u32 s20, $0x4;
	s10 =	sadd.s32 s17, s5;
	[dreg:$0xc] =	wrdreg s9  }
0x16: {  	s17 =	sshll.u32 s15, $0x4;
	s26 =	sshrl.u32 s16, $0x3;
	[dreg:$0xe] =	wrdreg s10  }
0x17: {  	s11 =	sadd.s32 s19, s5;
	s13 =	sadd.s32 $0x2000, s7;
	[dreg:$0x13] =	wrdreg s26  }
0x18: {  	s19 =	sadd.s32 s21, s5;
	s14 =	sadd.s32 $0x4000, s7;
	[dreg:$0x17] =	wrdreg s13  }
0x19: {  	s15 =	sadd.s32 $0x6000, s7;
	s16 =	sadd.s32 $0x8000, s7;
	[dreg:$0x18] =	wrdreg s14  }
0x1a: {  	s21 =	sadd.s32 $0xC000, s7;
	s3 =	sadd.s32 s25, s5;
	[dreg:$0x19] =	wrdreg s15  }
0x1b: {  	s10 =	sshll.u32 s18, $0x4;
	s22 =	sadd.s32 $0x1C0, s12;
	[dreg:$0x1a] =	wrdreg s16  }
0x1c: {  	s24 =	sadd.s32 $0x200, s12;
	s12 =	sadd.s32 $0x240, s12;
	[dreg:$0x1c] =	wrdreg s21  }
0x1d: {  	s9 =	sshrl.u32 s11, $0x3;
	s26 =	sadd.s32 $0x12000, s7;
	[dreg:$0xf] =	wrdreg s10  }
0x1e: {  	s21 =	smul.u32 $0x2800, s0;
	s23 =	sshll.u32 s22, $0x7;
	[dreg:$0x14] =	wrdreg s9  }
0x1f: {  	s18 =	sshll.u32 s24, $0x7;
	s8 =	sshll.u32 s22, $0x4;
	[dreg:$0x1f] =	wrdreg s26  }
0x20: {  	s25 =	sshll.u32 s12, $0x7;
	s12 =	sshll.u32 s12, $0x4;
	[dreg:$0x10] =	wrdreg s8  }
0x21: {  	s3 =	sshrl.u32 s3, $0x3;
	s10 =	sadd.s32 s23, s5;
	[dreg:$0x11] =	wrdreg s12  }
0x22: {  	s22 =	sadd.s32 s18, s5;
	[dreg:$0x12] =	wrdreg s3;
	s18 =	sadd.s32 $0xA000, s7  }
0x23: {  	s23 =	sshll.u32 s24, $0x4;
	s24 =	sadd.s32 $0xE000, s7;
	[dreg:$0x1b] =	wrdreg s18  }
0x24: {  	s8 =	sadd.s32 s25, s5;
	s25 =	sadd.s32 $0x10000, s7;
	[dreg:$0x1d] =	wrdreg s24  }
0x25: {  	s13 =	stileid.u32;
	s11 =	sshrl.u32 s10, $0x3;
	[dreg:$0x1e] =	wrdreg s25  }
0x26: {  	s26 =	simm.s32 $0x3800;
	s12 =	sshrl.u32 s8, $0x3;
	[dreg:$0x15] =	wrdreg s11  }
0x27: {  	v0 =	vimm.f32 $0.0e+00;
	s24 =	simm.s32 $0x5400;
	s25 =	simm.s32 $0x3;
	[dreg:$0x16] =	wrdreg s12  }
.LBB2_1:
0x28: {  	s3 =	simm.s32 $0x0;
	s8 =	simm.s32 $0x200  }
.LBB2_2:
0x29: {  	p1 =	sne.s32 s8, $0x7E00;
	[tilespmem:s3+$0x5470] =	vst v0  }
0x2a: {  	[tilespmem:s3+$0x5400] =	vst v0  }
0x2b: {  	[tilespmem:s3+$0x5410] =	vst v0  }
.Ltmp0:
0x2c: {  	[tilespmem:s3+$0x5420] =	vst v0;
	(pc) =	sbr.rel @p1 .LBB2_2-.Ltmp0, $4  }
0x2d: {  	[tilespmem:s3+$0x5430] =	vst v0  }
0x2e: {  	[tilespmem:s3+$0x5440] =	vst v0  }
0x2f: {  	[tilespmem:s3+$0x5450] =	vst v0  }
0x30: {  	[tilespmem:s3+$0x5460] =	vst v0;
	s3 =	sshra.s32 s8, $0x2;
	s8 =	sadd.s32 $0x200, s8  }
0x31: {  	[tilespmem:s3+$0x5470] =	vst v0  }
0x32: {  	[tilespmem:s3+$0x5400] =	vst v0  }
0x33: {  	[tilespmem:s3+$0x5410] =	vst v0  }
0x34: {  	[tilespmem:s3+$0x5420] =	vst v0  }
0x35: {  	[tilespmem:s3+$0x5430] =	vst v0  }
0x36: {  	[tilespmem:s3+$0x5440] =	vst v0  }
0x37: {  	[tilespmem:s3+$0x5450] =	vst v0  }
0x38: {  	[tilespmem:s3+$0x5460] =	vst v0  }
0x39: {  	[spmem:s7] =	stream.linear.scatter [tilespmem:s24], [sflag:$0x3], $0x2000, $0x38;
	[tilespmem:$0x1F400] =	vst v63  }
0x3a: {  	_ =	swait.ge [sflag:s25], $0x2000  }
0x3b: {  	[sflag:s25] =	ssyncset.done $0x0  }
0x3c: {  	s0 =	rddreg [dreg:$0x17];
	[sflag:s25] =	ssyncadd.s32 $0xFFFFE000  }
0x3d: {  	[spmem:s0] =	stream.linear.scatter [tilespmem:s24], [sflag:$0x3], $0x2000, $0x38;
	[tilespmem:$0x1F400] =	vst v63  }
0x3e: {  	_ =	swait.ge [sflag:s25], $0x2000  }
0x3f: {  	[sflag:s25] =	ssyncset.done $0x0  }
0x40: {  	s18 =	rddreg [dreg:$0x18];
	[sflag:s25] =	ssyncadd.s32 $0xFFFFE000  }
0x41: {  	[spmem:s18] =	stream.linear.scatter [tilespmem:s24], [sflag:$0x3], $0x2000, $0x38;
	[tilespmem:$0x1F400] =	vst v63  }
0x42: {  	_ =	swait.ge [sflag:s25], $0x2000  }
0x43: {  	[sflag:s25] =	ssyncset.done $0x0  }
0x44: {  	s3 =	rddreg [dreg:$0x19];
	[sflag:s25] =	ssyncadd.s32 $0xFFFFE000  }
0x45: {  	[spmem:s3] =	stream.linear.scatter [tilespmem:s24], [sflag:$0x3], $0x2000, $0x38;
	[tilespmem:$0x1F400] =	vst v63  }
0x46: {  	_ =	swait.ge [sflag:s25], $0x2000  }
0x47: {  	[sflag:s25] =	ssyncset.done $0x0  }
0x48: {  	s8 =	rddreg [dreg:$0x1a];
	[sflag:s25] =	ssyncadd.s32 $0xFFFFE000  }
0x49: {  	[spmem:s8] =	stream.linear.scatter [tilespmem:s24], [sflag:$0x3], $0x2000, $0x38;
	[tilespmem:$0x1F400] =	vst v63  }
0x4a: {  	_ =	swait.ge [sflag:s25], $0x2000  }
0x4b: {  	[sflag:s25] =	ssyncset.done $0x0  }
0x4c: {  	s9 =	rddreg [dreg:$0x1b];
	[sflag:s25] =	ssyncadd.s32 $0xFFFFE000  }
0x4d: {  	[spmem:s9] =	stream.linear.scatter [tilespmem:s24], [sflag:$0x3], $0x2000, $0x38;
	[tilespmem:$0x1F400] =	vst v63  }
0x4e: {  	_ =	swait.ge [sflag:s25], $0x2000  }
0x4f: {  	[sflag:s25] =	ssyncset.done $0x0  }
0x50: {  	s10 =	rddreg [dreg:$0x1c];
	[sflag:s25] =	ssyncadd.s32 $0xFFFFE000  }
0x51: {  	[spmem:s10] =	stream.linear.scatter [tilespmem:s24], [sflag:$0x3], $0x2000, $0x38;
	[tilespmem:$0x1F400] =	vst v63  }
0x52: {  	_ =	swait.ge [sflag:s25], $0x2000  }
0x53: {  	[sflag:s25] =	ssyncset.done $0x0  }
0x54: {  	s11 =	rddreg [dreg:$0x1d];
	[sflag:s25] =	ssyncadd.s32 $0xFFFFE000  }
0x55: {  	[spmem:s11] =	stream.linear.scatter [tilespmem:s24], [sflag:$0x3], $0x2000, $0x38;
	[tilespmem:$0x1F400] =	vst v63  }
0x56: {  	_ =	swait.ge [sflag:s25], $0x2000  }
0x57: {  	[sflag:s25] =	ssyncset.done $0x0  }
0x58: {  	s12 =	rddreg [dreg:$0x1e];
	[sflag:s25] =	ssyncadd.s32 $0xFFFFE000  }
0x59: {  	[spmem:s12] =	stream.linear.scatter [tilespmem:s24], [sflag:$0x3], $0x2000, $0x38;
	[tilespmem:$0x1F400] =	vst v63  }
0x5a: {  	_ =	swait.ge [sflag:s25], $0x2000  }
0x5b: {  	[sflag:s25] =	ssyncset.done $0x0  }
0x5c: {  	s14 =	rddreg [dreg:$0x1f];
	[sflag:s25] =	ssyncadd.s32 $0xFFFFE000  }
0x5d: {  	[spmem:s14] =	stream.linear.scatter [tilespmem:s24], [sflag:$0x3], $0x2000, $0x38;
	[tilespmem:$0x1F400] =	vst v63  }
0x5e: {  	_ =	swait.ge [sflag:s25], $0x2000  }
0x5f: {  	[sflag:s25] =	ssyncset.done $0x0  }
0x60: {  	s3 =	simm.s32 $0x0;
	s15 =	rddreg [dreg:$0x6];
	[sflag:s25] =	ssyncadd.s32 $0xFFFFE000  }
0x61: {  	[tilespmem:s3], [sflag:$0x3] =	stream.linear.gather [hbm4b:s15+s3], $0x1A80, $0x38;
	[tilespmem:$0x1F400] =	vst v63  }
0x62: {  	_ =	swait.ge [sflag:s25], $0x1A80  }
0x63: {  	[sflag:s25] =	ssyncset.done $0x0  }
0x64: {  	s8 =	simm.s32 $0x1C00;
	s16 =	rddreg [dreg:$0x7];
	[sflag:s25] =	ssyncadd.s32 $0xFFFFE580  }
0x65: {  	[tilespmem:s8], [sflag:$0x3] =	stream.linear.gather [hbm4b:s16+s3], $0x1A80, $0x38;
	[tilespmem:$0x1F400] =	vst v63  }
0x66: {  	_ =	swait.ge [sflag:s25], $0x1A80  }
0x67: {  	[sflag:s25] =	ssyncset.done $0x0  }
0x68: {  	s18 =	rddreg [dreg:$0x8];
	[sflag:s25] =	ssyncadd.s32 $0xFFFFE580  }
0x69: {  	[tilespmem:s26], [sflag:$0x3] =	stream.linear.gather [hbm4b:s18+s3], $0x1A80, $0x38;
	[tilespmem:$0x1F400] =	vst v63  }
0x6a: {  	_ =	swait.ge [sflag:s25], $0x1A80  }
0x6b: {  	[sflag:s25] =	ssyncset.done $0x0  }
0x6c: {  	[sflag:s25] =	ssyncadd.s32 $0xFFFFE580  }
0x6d: {  	s8 =	simm.s32 $0x0;
	[bflag:$0x0] =	sbarrier.arrive $0xFFFF  }
0x6e: {  	[tilespmem:s24], [sflag:$0x1] =	stream.indirect.gather [hbm4b:s1+s28], $0x80, s3, s28, $0xb8;
	[tilespmem:$0x1F400] =	vst v63  }
.LBB2_4:
0x6f: {  	s10 =	sshll.u32 s8, $0x8;
	v1 =	vmov s3;
	s9 =	simm.s32 $0x3  }
0x70: {  	s12 =	sshllo.u32 s8, $0x1;
	v2 =	vmov s10;
	v1 =	vand.u32 $0x7C, v1;
	v3 =	vmov s9  }
0x71: {  	s9 =	sshll.u32 s12, $0x7;
	v1 =	vor.u32 v2, v1;
	v3 =	vand.u32 $0x7F, v3  }
0x72: {  	[tilespmem:s29], [sflag:$0x2] =	stream.indirect.gather [hbm4b:s1+s28], $0x80, s9, s28, $0xb8;
	v1 =	vbroadcast v1, $0x0;
	v3 =	vor.u32 v2, v3;
	[tilespmem:$0x1F400] =	vst v63  }
0x73: {  	_ =	swait.ge [sflag:s30], $0x3000;
	v3 =	vbroadcast v3, $0x0  }
0x74: {  	[sflag:s30] =	ssyncset.done $0x0  }
0x75: {  	s11 =	simm.s32 $0x5500;
	[sflag:s30] =	ssyncadd.s32 $0xFFFFD000  }
0x76: {  	v6 =	vld [tilespmem:s11+$0xFFFFFF00]  }
0x77: {  	s12 =	simm.s32 $0x1;
	v7 =	vld [tilespmem:s11+$0xFFFFFF10]  }
0x78: {  	v5 =	vmov s12;
	v4 =	vld.idx.msk [tilespmem:v1+s26+$0x0], $0xffff  }
0x79: {  	v1 =	vld.idx.msk [tilespmem:v3+s26+$0x0], $0xffff;
	v3 =	vand.u32 $0x7D, v5  }
0x7a: {  	v8 =	vld [tilespmem:s11+$0xFFFFFF20];
	v3 =	vor.u32 v2, v3  }
0x7b: {  	v9 =	vld [tilespmem:s11+$0xFFFFFF30];
	v3 =	vbroadcast v3, $0x0  }
0x7c: {  	v5 =	vld [tilespmem:s11+$0xF0]  }
0x7d: {  	v10 =	vld [tilespmem:s11+$0xFFFFFF40]  }
0x7e: {  	v11 =	vld [tilespmem:s11+$0xFFFFFF50];
	v6 =	vmul.f32 v6, v4  }
0x7f: {  	v12 =	vld [tilespmem:s11+$0xFFFFFF60]  }
0x80: {  	s14 =	simm.s32 $0x2;
	v7 =	vmul.f32 v7, v4;
	[tilespmem:s11+$0xFFFFFF00] =	vst v6;
	v6 =	vld [tilespmem:s11+$0xFFFFFF70]  }
0x81: {  	v13 =	vmov s14;
	v5 =	vmul.f32 v5, v1;
	v14 =	vld.idx.msk [tilespmem:v3+s26+$0x0], $0xffff  }
0x82: {  	[tilespmem:s11+$0xFFFFFF10] =	vst v7;
	v7 =	vmul.f32 v9, v4;
	v3 =	vand.u32 $0x7E, v13;
	v13 =	vld [tilespmem:s11+$0xFFFFFF80]  }
0x83: {  	v9 =	vld [tilespmem:s11+$0xFFFFFFA0];
	[tilespmem:s11+$0xF0] =	vst v5;
	v5 =	vmul.f32 v8, v4;
	v3 =	vor.u32 v2, v3  }
0x84: {  	v8 =	vld [tilespmem:s11+$0xFFFFFF90];
	[tilespmem:s11+$0xFFFFFF30] =	vst v7;
	v7 =	vmul.f32 v11, v4;
	v3 =	vbroadcast v3, $0x0  }
0x85: {  	v11 =	vld [tilespmem:s11+$0xFFFFFFC0];
	[tilespmem:s11+$0xFFFFFF20] =	vst v5;
	v5 =	vmul.f32 v10, v4  }
0x86: {  	v12 =	vmul.f32 v12, v4;
	v10 =	vld [tilespmem:s11+$0xFFFFFFB0];
	[tilespmem:s11+$0xFFFFFF50] =	vst v7;
	v4 =	vmul.f32 v6, v4  }
0x87: {  	v7 =	vld [tilespmem:s11+$0xFFFFFFE0];
	[tilespmem:s11+$0xFFFFFF40] =	vst v5;
	v5 =	vmul.f32 v13, v14  }
0x88: {  	v13 =	vld [tilespmem:s11+$0xFFFFFFD0];
	[tilespmem:s11+$0xFFFFFF70] =	vst v4  }
0x89: {  	v4 =	vmul.f32 v9, v14;
	[tilespmem:s11+$0xFFFFFF80] =	vst v5;
	v5 =	vmul.f32 v8, v14;
	v8 =	vld [tilespmem:s11+$0x0]  }
0x8a: {  	[tilespmem:s11+$0xFFFFFF60] =	vst v12;
	v3 =	vld.idx.msk [tilespmem:v3+s26+$0x0], $0xffff  }
0x8b: {  	v6 =	vld [tilespmem:s11+$0xFFFFFFF0];
	[tilespmem:s11+$0xFFFFFFA0] =	vst v4;
	v4 =	vmul.f32 v11, v14  }
0x8c: {  	v9 =	vld [tilespmem:s11+$0x10];
	[tilespmem:s11+$0xFFFFFF90] =	vst v5;
	v5 =	vmul.f32 v10, v14  }
0x8d: {  	s15 =	simm.s32 $0x4;
	v7 =	vmul.f32 v7, v14;
	v10 =	vld [tilespmem:s11+$0x20];
	[tilespmem:s11+$0xFFFFFFC0] =	vst v4  }
0x8e: {  	v12 =	vmov s15;
	v11 =	vld [tilespmem:s11+$0x30];
	[tilespmem:s11+$0xFFFFFFB0] =	vst v5;
	v5 =	vmul.f32 v13, v14  }
0x8f: {  	v12 =	vand.u32 $0x7C, v12;
	v4 =	vld [tilespmem:s11+$0x40];
	[tilespmem:s11+$0xFFFFFFE0] =	vst v7;
	v8 =	vmul.f32 v8, v3  }
0x90: {  	s16 =	simm.s32 $0x5;
	s18 =	simm.s32 $0x6;
	v7 =	vor.u32 v2, v12;
	v13 =	vmul.f32 v6, v14;
	[tilespmem:s11+$0xFFFFFFD0] =	vst v5;
	v5 =	vld [tilespmem:s11+$0x50]  }
0x91: {  	v14 =	vmov s16;
	v6 =	vld [tilespmem:s11+$0x60];
	v9 =	vmul.f32 v9, v3;
	[tilespmem:s11+$0x0] =	vst v8;
	v8 =	vmov s18  }
0x92: {  	[tilespmem:s11+$0xFFFFFFF0] =	vst v13;
	v13 =	vand.u32 $0x7D, v14;
	v10 =	vmul.f32 v10, v3;
	v12 =	vand.u32 $0x7E, v8;
	v8 =	vld [tilespmem:s11+$0x70]  }
0x93: {  	s12 =	simm.s32 $0x5500;
	s15 =	simm.s32 $0x8;
	v7 =	vbroadcast v7, $0x0;
	v11 =	vmul.f32 v11, v3;
	v13 =	vor.u32 v2, v13;
	s18 =	simm.s32 $0x7;
	[tilespmem:s11+$0x10] =	vst v9;
	v9 =	vld [tilespmem:s11+$0x80]  }
.LBB2_5:
0x94: {  	p1 =	slt.u32 s15, $0x5C;
	v12 =	vor.u32 v2, v12;
	v14 =	vmov s18;
	[tilespmem:s11+$0x20] =	vst v10;
	v4 =	vmul.f32 v4, v3;
	v10 =	vld [tilespmem:s11+$0x90]  }
0x95: {  	v13 =	vbroadcast v13, $0x0;
	v14 =	vand.u32 $0x7F, v14;
	[tilespmem:s11+$0x30] =	vst v11;
	v5 =	vmul.f32 v5, v3;
	v11 =	vld [tilespmem:s11+$0xA0]  }
0x96: {  	v12 =	vbroadcast v12, $0x0;
	v14 =	vor.u32 v2, v14;
	[tilespmem:s11+$0x40] =	vst v4;
	v4 =	vmul.f32 v6, v3;
	v6 =	vld [tilespmem:s11+$0xB0]  }
0x97: {  	v14 =	vbroadcast v14, $0x0;
	[tilespmem:s11+$0x50] =	vst v5;
	v3 =	vmul.f32 v8, v3;
	v5 =	vld [tilespmem:s11+$0xC0]  }
0x98: {  	[tilespmem:s11+$0x60] =	vst v4;
	v4 =	vmul.f32 v9, v1;
	v8 =	vld [tilespmem:s11+$0xD0]  }
0x99: {  	[tilespmem:s11+$0x70] =	vst v3;
	v3 =	vmul.f32 v10, v1;
	v9 =	vld [tilespmem:s11+$0xE0]  }
0x9a: {  	v7 =	vld.idx.msk [tilespmem:v7+s26+$0x0], $0xffff;
	[tilespmem:s11+$0x80] =	vst v4;
	v4 =	vmul.f32 v11, v1  }
0x9b: {  	v10 =	vld.idx.msk [tilespmem:v13+s26+$0x0], $0xffff;
	[tilespmem:s11+$0x90] =	vst v3;
	v6 =	vmul.f32 v6, v1  }
0x9c: {  	v3 =	vld.idx.msk [tilespmem:v12+s26+$0x0], $0xffff;
	[tilespmem:s11+$0xA0] =	vst v4;
	v4 =	vmul.f32 v5, v1  }
0x9d: {  	s11 =	sadd.s32 $0x200, s11;
	v5 =	vld.idx.msk [tilespmem:v14+s26+$0x0], $0xffff;
	[tilespmem:s12+$0xB0] =	vst v6;
	v6 =	vmul.f32 v8, v1  }
0x9e: {  	v8 =	vld [tilespmem:s11+$0xF0];
	[tilespmem:s12+$0xC0] =	vst v4;
	v1 =	vmul.f32 v9, v1  }
0x9f: {  	v4 =	vld [tilespmem:s11+$0xFFFFFF00];
	[tilespmem:s12+$0xD0] =	vst v6  }
0xa0: {  	v6 =	vld [tilespmem:s11+$0xFFFFFF10];
	[tilespmem:s12+$0xE0] =	vst v1;
	s12 =	smov.u32 s11  }
0xa1: {  	v9 =	vld [tilespmem:s11+$0xFFFFFF20]  }
0xa2: {  	v11 =	vld [tilespmem:s11+$0xFFFFFF30]  }
0xa3: {  	v1 =	vmov v5;
	v12 =	vld [tilespmem:s11+$0xFFFFFF40];
	v8 =	vmul.f32 v8, v5  }
0xa4: {  	v4 =	vmul.f32 v4, v7;
	v5 =	vld [tilespmem:s11+$0xFFFFFF50]  }
0xa5: {  	v6 =	vmul.f32 v6, v7;
	v13 =	vld [tilespmem:s11+$0xFFFFFF60];
	[tilespmem:s11+$0xF0] =	vst v8  }
0xa6: {  	[tilespmem:s11+$0xFFFFFF00] =	vst v4;
	v4 =	vmul.f32 v9, v7;
	v8 =	vld [tilespmem:s11+$0xFFFFFF70]  }
0xa7: {  	[tilespmem:s11+$0xFFFFFF10] =	vst v6;
	v6 =	vmul.f32 v11, v7;
	v9 =	vld [tilespmem:s11+$0xFFFFFF80]  }
0xa8: {  	[tilespmem:s11+$0xFFFFFF20] =	vst v4;
	v4 =	vmul.f32 v12, v7;
	v11 =	vld [tilespmem:s11+$0xFFFFFF90]  }
0xa9: {  	[tilespmem:s11+$0xFFFFFF30] =	vst v6;
	v5 =	vmul.f32 v5, v7;
	v6 =	vld [tilespmem:s11+$0xFFFFFFA0]  }
0xaa: {  	[tilespmem:s11+$0xFFFFFF40] =	vst v4;
	v4 =	vmul.f32 v13, v7;
	v12 =	vld [tilespmem:s11+$0xFFFFFFB0]  }
0xab: {  	[tilespmem:s11+$0xFFFFFF50] =	vst v5;
	v5 =	vmul.f32 v8, v7;
	v7 =	vld [tilespmem:s11+$0xFFFFFFC0]  }
0xac: {  	[tilespmem:s11+$0xFFFFFF60] =	vst v4;
	v4 =	vmul.f32 v9, v10;
	v8 =	vld [tilespmem:s11+$0xFFFFFFD0]  }
0xad: {  	[tilespmem:s11+$0xFFFFFF70] =	vst v5;
	v5 =	vmul.f32 v11, v10;
	v9 =	vld [tilespmem:s11+$0xFFFFFFE0]  }
0xae: {  	[tilespmem:s11+$0xFFFFFF80] =	vst v4;
	v4 =	vmul.f32 v6, v10;
	v6 =	vld [tilespmem:s11+$0xFFFFFFF0]  }
0xaf: {  	[tilespmem:s11+$0xFFFFFF90] =	vst v5;
	v5 =	vmul.f32 v12, v10;
	v11 =	vld [tilespmem:s11+$0x0]  }
0xb0: {  	[tilespmem:s11+$0xFFFFFFA0] =	vst v4;
	v4 =	vmul.f32 v7, v10;
	v7 =	vld [tilespmem:s11+$0x10]  }
0xb1: {  	[tilespmem:s11+$0xFFFFFFB0] =	vst v5;
	v5 =	vmul.f32 v8, v10;
	v8 =	vld [tilespmem:s11+$0x20]  }
0xb2: {  	[tilespmem:s11+$0xFFFFFFC0] =	vst v4;
	v9 =	vmul.f32 v9, v10;
	v14 =	vld [tilespmem:s11+$0x30]  }
.Ltmp1:
0xb3: {  	s18 =	sadd.s32 $0x1, s15;
	v12 =	vmov s15;
	[tilespmem:s11+$0xFFFFFFD0] =	vst v5;
	v6 =	vmul.f32 v6, v10;
	v4 =	vld [tilespmem:s11+$0x40];
	(pc) =	sbr.rel @p1 .LBB2_5-.Ltmp1, $4  }
0xb4: {  	v10 =	vand.u32 $0x7C, v12;
	v12 =	vmov s18;
	s18 =	sadd.s32 $0x2, s15;
	[tilespmem:s11+$0xFFFFFFE0] =	vst v9;
	v9 =	vmul.f32 v11, v3;
	v5 =	vld [tilespmem:s11+$0x50]  }
0xb5: {  	v11 =	vor.u32 v2, v10;
	v10 =	vmov s18;
	[tilespmem:s11+$0xFFFFFFF0] =	vst v6;
	v15 =	vmul.f32 v7, v3;
	v6 =	vld [tilespmem:s11+$0x60]  }
0xb6: {  	v13 =	vand.u32 $0x7D, v12;
	v12 =	vand.u32 $0x7E, v10;
	[tilespmem:s11+$0x0] =	vst v9;
	v10 =	vmul.f32 v8, v3;
	v8 =	vld [tilespmem:s11+$0x70]  }
0xb7: {  	s18 =	sadd.s32 $0x3, s15;
	s15 =	sadd.s32 $0x4, s15;
	v7 =	vbroadcast v11, $0x0;
	v13 =	vor.u32 v2, v13;
	[tilespmem:s11+$0x10] =	vst v15;
	v11 =	vmul.f32 v14, v3;
	v9 =	vld [tilespmem:s11+$0x80]  }
0xb8: {  	v15 =	vld [tilespmem:s11+$0x90]  }
0xb9: {  	v16 =	vld [tilespmem:s11+$0xA0]  }
0xba: {  	v14 =	vmov s18;
	v12 =	vor.u32 v2, v12;
	v17 =	vld [tilespmem:s11+$0xC0]  }
0xbb: {  	v13 =	vbroadcast v13, $0x0;
	[tilespmem:s11+$0x20] =	vst v10;
	v4 =	vmul.f32 v4, v3;
	v10 =	vld [tilespmem:s11+$0xD0];
	v14 =	vand.u32 $0x7F, v14  }
0xbc: {  	v12 =	vbroadcast v12, $0x0;
	[tilespmem:s11+$0x30] =	vst v11;
	v5 =	vmul.f32 v5, v3;
	v11 =	vld [tilespmem:s11+$0xE0];
	v2 =	vor.u32 v2, v14  }
0xbd: {  	v14 =	vld [tilespmem:s11+$0xB0];
	[tilespmem:s11+$0x40] =	vst v4;
	v4 =	vmul.f32 v6, v3;
	v2 =	vbroadcast v2, $0x0  }
0xbe: {  	s15 =	sadd.s32 $0x200, s11;
	v6 =	vld.idx.msk [tilespmem:v7+s26+$0x0], $0xffff;
	[tilespmem:s11+$0x50] =	vst v5;
	v3 =	vmul.f32 v8, v3  }
0xbf: {  	v8 =	vld [tilespmem:s15+$0xF0];
	[tilespmem:s11+$0x60] =	vst v4;
	v4 =	vmul.f32 v9, v1  }
0xc0: {  	v9 =	vld [tilespmem:s15+$0xFFFFFF00];
	[tilespmem:s11+$0x70] =	vst v3;
	v3 =	vmul.f32 v15, v1  }
0xc1: {  	v5 =	vld.idx.msk [tilespmem:v13+s26+$0x0], $0xffff;
	[tilespmem:s11+$0x80] =	vst v4;
	v4 =	vmul.f32 v16, v1  }
0xc2: {  	v7 =	vld.idx.msk [tilespmem:v12+s26+$0x0], $0xffff;
	[tilespmem:s11+$0x90] =	vst v3;
	v3 =	vmul.f32 v14, v1  }
0xc3: {  	[tilespmem:s11+$0xA0] =	vst v4;
	v4 =	vmul.f32 v17, v1;
	v2 =	vld.idx.msk [tilespmem:v2+s26+$0x0], $0xffff  }
0xc4: {  	v12 =	vld [tilespmem:s15+$0xFFFFFF10];
	[tilespmem:s12+$0xB0] =	vst v3;
	v3 =	vmul.f32 v10, v1  }
0xc5: {  	v10 =	vld [tilespmem:s15+$0xFFFFFF20];
	v1 =	vmul.f32 v11, v1;
	[tilespmem:s12+$0xC0] =	vst v4  }
0xc6: {  	v4 =	vld [tilespmem:s15+$0xFFFFFF30];
	[tilespmem:s12+$0xD0] =	vst v3  }
0xc7: {  	v3 =	vld [tilespmem:s15+$0xFFFFFF40];
	[tilespmem:s12+$0xE0] =	vst v1;
	v1 =	vmul.f32 v9, v6  }
0xc8: {  	v9 =	vld [tilespmem:s15+$0xFFFFFF50];
	v8 =	vmul.f32 v8, v2  }
0xc9: {  	v11 =	vmul.f32 v12, v6;
	v12 =	vld [tilespmem:s15+$0xFFFFFF60];
	[tilespmem:s15+$0xFFFFFF00] =	vst v1  }
0xca: {  	v1 =	vmul.f32 v10, v6;
	[tilespmem:s15+$0xF0] =	vst v8;
	v8 =	vld [tilespmem:s15+$0xFFFFFF70]  }
0xcb: {  	[tilespmem:s15+$0xFFFFFF10] =	vst v11;
	v10 =	vld [tilespmem:s15+$0xFFFFFF80];
	v4 =	vmul.f32 v4, v6  }
0xcc: {  	[tilespmem:s15+$0xFFFFFF20] =	vst v1;
	v1 =	vmul.f32 v3, v6;
	v3 =	vld [tilespmem:s15+$0xFFFFFF90]  }
0xcd: {  	[tilespmem:s15+$0xFFFFFF30] =	vst v4;
	v4 =	vmul.f32 v9, v6;
	v9 =	vld [tilespmem:s15+$0xFFFFFFA0]  }
0xce: {  	v11 =	vld [tilespmem:s15+$0xFFFFFFB0];
	[tilespmem:s15+$0xFFFFFF40] =	vst v1;
	v1 =	vmul.f32 v12, v6  }
0xcf: {  	[tilespmem:s15+$0xFFFFFF50] =	vst v4;
	v4 =	vmul.f32 v8, v6;
	v6 =	vld [tilespmem:s15+$0xFFFFFFC0]  }
0xd0: {  	[tilespmem:s15+$0xFFFFFF60] =	vst v1;
	v1 =	vmul.f32 v10, v5;
	v8 =	vld [tilespmem:s15+$0xFFFFFFD0]  }
0xd1: {  	v3 =	vmul.f32 v3, v5;
	[tilespmem:s15+$0xFFFFFF70] =	vst v4;
	v4 =	vld [tilespmem:s15+$0xFFFFFFE0]  }
0xd2: {  	[tilespmem:s15+$0xFFFFFF80] =	vst v1;
	v1 =	vmul.f32 v9, v5;
	v9 =	vld [tilespmem:s15+$0xFFFFFFF0]  }
0xd3: {  	v10 =	vld [tilespmem:s15+$0x0];
	[tilespmem:s15+$0xFFFFFF90] =	vst v3;
	v3 =	vmul.f32 v11, v5  }
0xd4: {  	[tilespmem:s15+$0xFFFFFFA0] =	vst v1;
	v1 =	vmul.f32 v6, v5;
	v6 =	vld [tilespmem:s15+$0x10]  }
0xd5: {  	[tilespmem:s15+$0xFFFFFFB0] =	vst v3;
	v3 =	vmul.f32 v8, v5;
	v8 =	vld [tilespmem:s15+$0x20]  }
0xd6: {  	[tilespmem:s15+$0xFFFFFFC0] =	vst v1;
	v1 =	vmul.f32 v4, v5;
	v4 =	vld [tilespmem:s15+$0x30]  }
0xd7: {  	[tilespmem:s15+$0xFFFFFFD0] =	vst v3;
	v3 =	vmul.f32 v9, v5;
	v5 =	vld [tilespmem:s15+$0x40]  }
0xd8: {  	v9 =	vld [tilespmem:s15+$0x50];
	[tilespmem:s15+$0xFFFFFFE0] =	vst v1;
	v1 =	vmul.f32 v10, v7  }
0xd9: {  	[tilespmem:s15+$0xFFFFFFF0] =	vst v3;
	v3 =	vmul.f32 v6, v7;
	v6 =	vld [tilespmem:s15+$0x60]  }
0xda: {  	[tilespmem:s15+$0x0] =	vst v1;
	v1 =	vmul.f32 v8, v7;
	v8 =	vld [tilespmem:s15+$0x70]  }
0xdb: {  	[tilespmem:s15+$0x10] =	vst v3;
	v3 =	vmul.f32 v4, v7;
	v4 =	vld [tilespmem:s15+$0x80]  }
0xdc: {  	[tilespmem:s15+$0x20] =	vst v1;
	v1 =	vmul.f32 v5, v7;
	v5 =	vld [tilespmem:s15+$0x90]  }
0xdd: {  	[tilespmem:s15+$0x30] =	vst v3;
	v3 =	vmul.f32 v9, v7;
	v9 =	vld [tilespmem:s15+$0xA0]  }
0xde: {  	[tilespmem:s15+$0x40] =	vst v1;
	v1 =	vmul.f32 v6, v7;
	v6 =	vld [tilespmem:s15+$0xB0]  }
0xdf: {  	[tilespmem:s15+$0x50] =	vst v3;
	v3 =	vmul.f32 v8, v7;
	v7 =	vld [tilespmem:s15+$0xC0]  }
0xe0: {  	[tilespmem:s15+$0x60] =	vst v1;
	v1 =	vmul.f32 v4, v2;
	v4 =	vld [tilespmem:s15+$0xD0]  }
0xe1: {  	[tilespmem:s15+$0x70] =	vst v3;
	v3 =	vmul.f32 v5, v2;
	v5 =	vld [tilespmem:s15+$0xE0]  }
0xe2: {  	[tilespmem:s15+$0x80] =	vst v1;
	v1 =	vmul.f32 v9, v2  }
0xe3: {  	[tilespmem:s15+$0x90] =	vst v3;
	v3 =	vmul.f32 v6, v2  }
0xe4: {  	[tilespmem:s15+$0xA0] =	vst v1;
	v1 =	vmul.f32 v7, v2  }
0xe5: {  	[tilespmem:s15+$0xB0] =	vst v3;
	v3 =	vmul.f32 v4, v2  }
0xe6: {  	[tilespmem:s15+$0xC0] =	vst v1;
	v1 =	vmul.f32 v5, v2  }
0xe7: {  	s10 =	sand.u32 $0x3FFFFF00, s10;
	s16 =	simm.s32 $0x0;
	[tilespmem:s15+$0xD0] =	vst v3  }
0xe8: {  	s0 =	simm.s32 $0x3;
	s18 =	sadd.s32 $0x1C00, s10;
	[tilespmem:s15+$0xE0] =	vst v1;
	v1 =	vmov s16  }
0xe9: {  	v2 =	vmov s9;
	v3 =	vmov s0;
	[spmem:s5] =	stream.indirect.scatter.add.f32 [tilespmem:s24], [sflag:$0x3], $0x80, s18, s28, $0xb8;
	v1 =	vand.u32 $0x7C, v1;
	[tilespmem:$0x1F400] =	vst v63  }
0xea: {  	v3 =	vand.u32 $0x7F, v3;
	_ =	swait.ge [sflag:s25], $0x3000;
	v1 =	vor.u32 v2, v1  }
0xeb: {  	v3 =	vor.u32 v2, v3;
	[sflag:s25] =	ssyncset.done $0x0;
	v1 =	vbroadcast v1, $0x0  }
0xec: {  	s10 =	sadd.s32 $0x100, s10;
	v3 =	vbroadcast v3, $0x0;
	[sflag:s25] =	ssyncadd.s32 $0xFFFFD000  }
0xed: {  	[tilespmem:s24], [sflag:$0x1] =	stream.indirect.gather [hbm4b:s1+s28], $0x80, s10, s28, $0xb8;
	[tilespmem:$0x1F400] =	vst v63  }
0xee: {  	_ =	swait.ge [sflag:s31], $0x3000  }
0xef: {  	[sflag:s31] =	ssyncset.done $0x0  }
0xf0: {  	[sflag:s31] =	ssyncadd.s32 $0xFFFFD000  }
0xf1: {  	s12 =	simm.s32 $0x1;
	v4 =	vld.idx.msk [tilespmem:v1+s26+$0x0], $0xffff  }
0xf2: {  	v5 =	vmov s12;
	s10 =	simm.s32 $0x8500;
	v1 =	vld.idx.msk [tilespmem:v3+s26+$0x0], $0xffff  }
0xf3: {  	v3 =	vand.u32 $0x7D, v5;
	v5 =	vld [tilespmem:s10+$0xF0]  }
0xf4: {  	v6 =	vld [tilespmem:s10+$0xFFFFFF00]  }
0xf5: {  	v7 =	vld [tilespmem:s10+$0xFFFFFF10]  }
0xf6: {  	v8 =	vld [tilespmem:s10+$0xFFFFFF20];
	v3 =	vor.u32 v2, v3  }
0xf7: {  	v9 =	vld [tilespmem:s10+$0xFFFFFF30];
	v3 =	vbroadcast v3, $0x0  }
0xf8: {  	v10 =	vld [tilespmem:s10+$0xFFFFFF40]  }
0xf9: {  	v11 =	vld [tilespmem:s10+$0xFFFFFF50];
	v6 =	vmul.f32 v6, v4  }
0xfa: {  	v12 =	vld [tilespmem:s10+$0xFFFFFF60];
	v5 =	vmul.f32 v5, v1  }
0xfb: {  	[tilespmem:s10+$0xFFFFFF00] =	vst v6;
	v6 =	vld [tilespmem:s10+$0xFFFFFF70]  }
0xfc: {  	s14 =	simm.s32 $0x2;
	v7 =	vmul.f32 v7, v4;
	[tilespmem:s10+$0xF0] =	vst v5;
	v5 =	vmul.f32 v8, v4;
	v8 =	vld [tilespmem:s10+$0xFFFFFF90]  }
0xfd: {  	v13 =	vmov s14;
	v14 =	vld.idx.msk [tilespmem:v3+s26+$0x0], $0xffff  }
0xfe: {  	[tilespmem:s10+$0xFFFFFF10] =	vst v7;
	v7 =	vmul.f32 v9, v4;
	v3 =	vand.u32 $0x7E, v13;
	v13 =	vld [tilespmem:s10+$0xFFFFFF80]  }
0xff: {  	v12 =	vmul.f32 v12, v4;
	v9 =	vld [tilespmem:s10+$0xFFFFFFA0];
	v3 =	vor.u32 v2, v3;
	[tilespmem:s10+$0xFFFFFF20] =	vst v5;
	v5 =	vmul.f32 v10, v4  }
0x100: {  	v10 =	vld [tilespmem:s10+$0xFFFFFFB0];
	[tilespmem:s10+$0xFFFFFF30] =	vst v7;
	v7 =	vmul.f32 v11, v4;
	v3 =	vbroadcast v3, $0x0  }
0x101: {  	[tilespmem:s10+$0xFFFFFF60] =	vst v12;
	v11 =	vld [tilespmem:s10+$0xFFFFFFC0]  }
0x102: {  	[tilespmem:s10+$0xFFFFFF50] =	vst v7;
	v7 =	vld [tilespmem:s10+$0xFFFFFFE0];
	v4 =	vmul.f32 v6, v4  }
0x103: {  	[tilespmem:s10+$0xFFFFFF40] =	vst v5;
	v6 =	vld [tilespmem:s10+$0xFFFFFFF0];
	v5 =	vmul.f32 v13, v14  }
0x104: {  	v13 =	vld [tilespmem:s10+$0xFFFFFFD0];
	[tilespmem:s10+$0xFFFFFF70] =	vst v4;
	v4 =	vmul.f32 v9, v14  }
0x105: {  	[tilespmem:s10+$0xFFFFFF80] =	vst v5;
	v5 =	vmul.f32 v8, v14;
	v8 =	vld [tilespmem:s10+$0x0]  }
0x106: {  	v3 =	vld.idx.msk [tilespmem:v3+s26+$0x0], $0xffff;
	[tilespmem:s10+$0xFFFFFFA0] =	vst v4;
	v4 =	vmul.f32 v11, v14  }
0x107: {  	v9 =	vld [tilespmem:s10+$0x10];
	[tilespmem:s10+$0xFFFFFF90] =	vst v5;
	v5 =	vmul.f32 v10, v14  }
0x108: {  	s15 =	simm.s32 $0x4;
	v7 =	vmul.f32 v7, v14;
	v10 =	vld [tilespmem:s10+$0x20];
	[tilespmem:s10+$0xFFFFFFC0] =	vst v4  }
0x109: {  	v12 =	vmov s15;
	v11 =	vld [tilespmem:s10+$0x30];
	[tilespmem:s10+$0xFFFFFFB0] =	vst v5;
	v5 =	vmul.f32 v13, v14  }
0x10a: {  	v12 =	vand.u32 $0x7C, v12;
	v4 =	vld [tilespmem:s10+$0x40];
	[tilespmem:s10+$0xFFFFFFE0] =	vst v7;
	v13 =	vmul.f32 v6, v14  }
0x10b: {  	s16 =	simm.s32 $0x5;
	s18 =	simm.s32 $0x6;
	v7 =	vor.u32 v2, v12;
	[tilespmem:s10+$0xFFFFFFD0] =	vst v5;
	v8 =	vmul.f32 v8, v3;
	v5 =	vld [tilespmem:s10+$0x50]  }
0x10c: {  	v12 =	vmov s18;
	v14 =	vmov s16;
	v6 =	vld [tilespmem:s10+$0x60];
	v9 =	vmul.f32 v9, v3;
	[tilespmem:s10+$0xFFFFFFF0] =	vst v13  }
0x10d: {  	v12 =	vand.u32 $0x7E, v12;
	v13 =	vand.u32 $0x7D, v14;
	v10 =	vmul.f32 v10, v3;
	[tilespmem:s10+$0x0] =	vst v8;
	v8 =	vld [tilespmem:s10+$0x70]  }
0x10e: {  	s11 =	simm.s32 $0x8500;
	s12 =	simm.s32 $0x8;
	s15 =	simm.s32 $0x7;
	v7 =	vbroadcast v7, $0x0;
	v11 =	vmul.f32 v11, v3;
	v13 =	vor.u32 v2, v13;
	[tilespmem:s10+$0x10] =	vst v9;
	v9 =	vld [tilespmem:s10+$0x80]  }
.LBB2_7:
0x10f: {  	p1 =	slt.u32 s12, $0x5C;
	v12 =	vor.u32 v2, v12;
	v14 =	vmov s15;
	[tilespmem:s10+$0x20] =	vst v10;
	v4 =	vmul.f32 v4, v3;
	v10 =	vld [tilespmem:s10+$0x90]  }
0x110: {  	v13 =	vbroadcast v13, $0x0;
	v14 =	vand.u32 $0x7F, v14;
	[tilespmem:s10+$0x30] =	vst v11;
	v5 =	vmul.f32 v5, v3;
	v11 =	vld [tilespmem:s10+$0xA0]  }
0x111: {  	v12 =	vbroadcast v12, $0x0;
	v14 =	vor.u32 v2, v14;
	[tilespmem:s10+$0x40] =	vst v4;
	v4 =	vmul.f32 v6, v3;
	v6 =	vld [tilespmem:s10+$0xB0]  }
0x112: {  	v14 =	vbroadcast v14, $0x0;
	[tilespmem:s10+$0x50] =	vst v5;
	v3 =	vmul.f32 v8, v3;
	v5 =	vld [tilespmem:s10+$0xC0]  }
0x113: {  	[tilespmem:s10+$0x60] =	vst v4;
	v4 =	vmul.f32 v9, v1;
	v8 =	vld [tilespmem:s10+$0xD0]  }
0x114: {  	[tilespmem:s10+$0x70] =	vst v3;
	v3 =	vmul.f32 v10, v1;
	v9 =	vld [tilespmem:s10+$0xE0]  }
0x115: {  	v7 =	vld.idx.msk [tilespmem:v7+s26+$0x0], $0xffff;
	[tilespmem:s10+$0x80] =	vst v4;
	v4 =	vmul.f32 v11, v1  }
0x116: {  	v10 =	vld.idx.msk [tilespmem:v13+s26+$0x0], $0xffff;
	[tilespmem:s10+$0x90] =	vst v3;
	v6 =	vmul.f32 v6, v1  }
0x117: {  	v3 =	vld.idx.msk [tilespmem:v12+s26+$0x0], $0xffff;
	[tilespmem:s10+$0xA0] =	vst v4;
	v4 =	vmul.f32 v5, v1  }
0x118: {  	s10 =	sadd.s32 $0x200, s10;
	v5 =	vld.idx.msk [tilespmem:v14+s26+$0x0], $0xffff;
	[tilespmem:s11+$0xB0] =	vst v6;
	v6 =	vmul.f32 v8, v1  }
0x119: {  	v8 =	vld [tilespmem:s10+$0xF0];
	[tilespmem:s11+$0xC0] =	vst v4;
	v1 =	vmul.f32 v9, v1  }
0x11a: {  	v4 =	vld [tilespmem:s10+$0xFFFFFF00];
	[tilespmem:s11+$0xD0] =	vst v6  }
0x11b: {  	v6 =	vld [tilespmem:s10+$0xFFFFFF10];
	[tilespmem:s11+$0xE0] =	vst v1;
	s11 =	smov.u32 s10  }
0x11c: {  	v9 =	vld [tilespmem:s10+$0xFFFFFF20]  }
0x11d: {  	v11 =	vld [tilespmem:s10+$0xFFFFFF30]  }
0x11e: {  	v1 =	vmov v5;
	v12 =	vld [tilespmem:s10+$0xFFFFFF40];
	v8 =	vmul.f32 v8, v5  }
0x11f: {  	v4 =	vmul.f32 v4, v7;
	v5 =	vld [tilespmem:s10+$0xFFFFFF50]  }
0x120: {  	v6 =	vmul.f32 v6, v7;
	v13 =	vld [tilespmem:s10+$0xFFFFFF60];
	[tilespmem:s10+$0xF0] =	vst v8  }
0x121: {  	[tilespmem:s10+$0xFFFFFF00] =	vst v4;
	v4 =	vmul.f32 v9, v7;
	v8 =	vld [tilespmem:s10+$0xFFFFFF70]  }
0x122: {  	[tilespmem:s10+$0xFFFFFF10] =	vst v6;
	v6 =	vmul.f32 v11, v7;
	v9 =	vld [tilespmem:s10+$0xFFFFFF80]  }
0x123: {  	[tilespmem:s10+$0xFFFFFF20] =	vst v4;
	v4 =	vmul.f32 v12, v7;
	v11 =	vld [tilespmem:s10+$0xFFFFFF90]  }
0x124: {  	[tilespmem:s10+$0xFFFFFF30] =	vst v6;
	v5 =	vmul.f32 v5, v7;
	v6 =	vld [tilespmem:s10+$0xFFFFFFA0]  }
0x125: {  	[tilespmem:s10+$0xFFFFFF40] =	vst v4;
	v4 =	vmul.f32 v13, v7;
	v12 =	vld [tilespmem:s10+$0xFFFFFFB0]  }
0x126: {  	[tilespmem:s10+$0xFFFFFF50] =	vst v5;
	v5 =	vmul.f32 v8, v7;
	v7 =	vld [tilespmem:s10+$0xFFFFFFC0]  }
0x127: {  	[tilespmem:s10+$0xFFFFFF60] =	vst v4;
	v4 =	vmul.f32 v9, v10;
	v8 =	vld [tilespmem:s10+$0xFFFFFFD0]  }
0x128: {  	[tilespmem:s10+$0xFFFFFF70] =	vst v5;
	v5 =	vmul.f32 v11, v10;
	v9 =	vld [tilespmem:s10+$0xFFFFFFE0]  }
0x129: {  	[tilespmem:s10+$0xFFFFFF80] =	vst v4;
	v4 =	vmul.f32 v6, v10;
	v6 =	vld [tilespmem:s10+$0xFFFFFFF0]  }
0x12a: {  	[tilespmem:s10+$0xFFFFFF90] =	vst v5;
	v5 =	vmul.f32 v12, v10;
	v11 =	vld [tilespmem:s10+$0x0]  }
0x12b: {  	[tilespmem:s10+$0xFFFFFFA0] =	vst v4;
	v4 =	vmul.f32 v7, v10;
	v7 =	vld [tilespmem:s10+$0x10]  }
0x12c: {  	[tilespmem:s10+$0xFFFFFFB0] =	vst v5;
	v5 =	vmul.f32 v8, v10;
	v8 =	vld [tilespmem:s10+$0x20]  }
0x12d: {  	[tilespmem:s10+$0xFFFFFFC0] =	vst v4;
	v9 =	vmul.f32 v9, v10;
	v14 =	vld [tilespmem:s10+$0x30]  }
.Ltmp2:
0x12e: {  	s15 =	sadd.s32 $0x1, s12;
	v12 =	vmov s12;
	[tilespmem:s10+$0xFFFFFFD0] =	vst v5;
	v6 =	vmul.f32 v6, v10;
	v4 =	vld [tilespmem:s10+$0x40];
	(pc) =	sbr.rel @p1 .LBB2_7-.Ltmp2, $4  }
0x12f: {  	v10 =	vand.u32 $0x7C, v12;
	v12 =	vmov s15;
	s15 =	sadd.s32 $0x2, s12;
	[tilespmem:s10+$0xFFFFFFE0] =	vst v9;
	v9 =	vmul.f32 v11, v3;
	v5 =	vld [tilespmem:s10+$0x50]  }
0x130: {  	v11 =	vor.u32 v2, v10;
	v10 =	vmov s15;
	[tilespmem:s10+$0xFFFFFFF0] =	vst v6;
	v15 =	vmul.f32 v7, v3;
	v6 =	vld [tilespmem:s10+$0x60]  }
0x131: {  	v13 =	vand.u32 $0x7D, v12;
	v12 =	vand.u32 $0x7E, v10;
	[tilespmem:s10+$0x0] =	vst v9;
	v10 =	vmul.f32 v8, v3;
	v8 =	vld [tilespmem:s10+$0x70]  }
0x132: {  	s15 =	sadd.s32 $0x3, s12;
	s12 =	sadd.s32 $0x4, s12;
	v7 =	vbroadcast v11, $0x0;
	v13 =	vor.u32 v2, v13;
	[tilespmem:s10+$0x10] =	vst v15;
	v11 =	vmul.f32 v14, v3;
	v9 =	vld [tilespmem:s10+$0x80]  }
0x133: {  	v15 =	vld [tilespmem:s10+$0x90]  }
0x134: {  	v16 =	vld [tilespmem:s10+$0xA0]  }
0x135: {  	v21 =	vld [tilespmem:s10+$0xB0]  }
0x136: {  	v17 =	vld [tilespmem:s10+$0xC0]  }
0x137: {  	[tilespmem:s10+$0x20] =	vst v10;
	v4 =	vmul.f32 v4, v3;
	v22 =	vld [tilespmem:s10+$0xD0]  }
0x138: {  	v23 =	vld [tilespmem:s10+$0xE0];
	[tilespmem:s10+$0x30] =	vst v11;
	v5 =	vmul.f32 v5, v3  }
0x139: {  	s12 =	sadd.s32 $0x200, s10;
	v25 =	vld.idx.msk [tilespmem:v7+s26+$0x0], $0xffff;
	[tilespmem:s10+$0x40] =	vst v4;
	v24 =	vmul.f32 v6, v3  }
0x13a: {  	v30 =	vld [tilespmem:s12+$0xF0];
	[tilespmem:s10+$0x50] =	vst v5;
	v3 =	vmul.f32 v8, v3  }
0x13b: {  	v31 =	vld [tilespmem:s12+$0xFFFFFF00];
	[tilespmem:s10+$0x60] =	vst v24;
	v27 =	vmul.f32 v9, v1  }
0x13c: {  	v14 =	vmov s15;
	v33 =	vld [tilespmem:s12+$0xFFFFFF10];
	[tilespmem:s10+$0x70] =	vst v3;
	v3 =	vmul.f32 v15, v1  }
0x13d: {  	v14 =	vand.u32 $0x7F, v14;
	v34 =	vld [tilespmem:s12+$0xFFFFFF20];
	v29 =	vmul.f32 v16, v1;
	[tilespmem:s10+$0x80] =	vst v27  }
0x13e: {  	v12 =	vor.u32 v2, v12;
	v35 =	vld [tilespmem:s12+$0xFFFFFF30];
	v2 =	vor.u32 v2, v14;
	[tilespmem:s10+$0x90] =	vst v3;
	v3 =	vmul.f32 v21, v1  }
0x13f: {  	v36 =	vld [tilespmem:s12+$0xFFFFFF50];
	v2 =	vbroadcast v2, $0x0;
	v32 =	vmul.f32 v17, v1;
	[tilespmem:s10+$0xA0] =	vst v29  }
0x140: {  	v13 =	vbroadcast v13, $0x0;
	v38 =	vld [tilespmem:s12+$0xFFFFFF60];
	[tilespmem:s11+$0xB0] =	vst v3;
	v3 =	vmul.f32 v22, v1  }
0x141: {  	v39 =	vld [tilespmem:s12+$0xFFFFFF70];
	[tilespmem:s11+$0xC0] =	vst v32;
	v1 =	vmul.f32 v23, v1  }
0x142: {  	v37 =	vmul.f32 v33, v25;
	[tilespmem:s11+$0xD0] =	vst v3;
	v3 =	vld [tilespmem:s12+$0xFFFFFF40]  }
0x143: {  	v40 =	vld [tilespmem:s12+$0xFFFFFF80];
	[tilespmem:s11+$0xE0] =	vst v1;
	v1 =	vmul.f32 v31, v25  }
0x144: {  	v42 =	vld [tilespmem:s12+$0xFFFFFFA0];
	v4 =	vmul.f32 v35, v25;
	[tilespmem:s12+$0xFFFFFF10] =	vst v37  }
0x145: {  	v2 =	vld.idx.msk [tilespmem:v2+s26+$0x0], $0xffff;
	[tilespmem:s12+$0xFFFFFF00] =	vst v1;
	v1 =	vmul.f32 v34, v25  }
0x146: {  	v26 =	vld.idx.msk [tilespmem:v13+s26+$0x0], $0xffff;
	v41 =	vmul.f32 v36, v25;
	[tilespmem:s12+$0xFFFFFF30] =	vst v4  }
0x147: {  	[tilespmem:s12+$0xFFFFFF20] =	vst v1;
	v1 =	vmul.f32 v3, v25;
	v3 =	vld [tilespmem:s12+$0xFFFFFF90]  }
0x148: {  	v12 =	vbroadcast v12, $0x0;
	v43 =	vld [tilespmem:s12+$0xFFFFFFB0];
	v44 =	vmul.f32 v39, v25;
	[tilespmem:s12+$0xFFFFFF50] =	vst v41  }
0x149: {  	v45 =	vld [tilespmem:s12+$0xFFFFFFC0];
	[tilespmem:s12+$0xFFFFFF40] =	vst v1;
	v1 =	vmul.f32 v38, v25  }
0x14a: {  	v46 =	vld [tilespmem:s12+$0xFFFFFFD0];
	[tilespmem:s12+$0xFFFFFF70] =	vst v44;
	v8 =	vmul.f32 v30, v2  }
0x14b: {  	v47 =	vld [tilespmem:s12+$0xFFFFFFE0];
	[tilespmem:s12+$0xFFFFFF60] =	vst v1;
	v1 =	vmul.f32 v40, v26  }
0x14c: {  	v48 =	vld [tilespmem:s12+$0xFFFFFFF0];
	[tilespmem:s12+$0xF0] =	vst v8;
	v3 =	vmul.f32 v3, v26  }
0x14d: {  	v49 =	vld [tilespmem:s12+$0x0];
	[tilespmem:s12+$0xFFFFFF80] =	vst v1;
	v1 =	vmul.f32 v42, v26  }
0x14e: {  	v28 =	vld.idx.msk [tilespmem:v12+s26+$0x0], $0xffff;
	[tilespmem:s12+$0xFFFFFF90] =	vst v3;
	v3 =	vmul.f32 v43, v26  }
0x14f: {  	v50 =	vld [tilespmem:s12+$0x10];
	[tilespmem:s12+$0xFFFFFFA0] =	vst v1;
	v1 =	vmul.f32 v45, v26  }
0x150: {  	v51 =	vld [tilespmem:s12+$0x20];
	[tilespmem:s12+$0xFFFFFFB0] =	vst v3;
	v3 =	vmul.f32 v46, v26  }
0x151: {  	v52 =	vld [tilespmem:s12+$0x30];
	[tilespmem:s12+$0xFFFFFFC0] =	vst v1;
	v1 =	vmul.f32 v47, v26  }
0x152: {  	v53 =	vld [tilespmem:s12+$0x40];
	[tilespmem:s12+$0xFFFFFFD0] =	vst v3;
	v3 =	vmul.f32 v48, v26  }
0x153: {  	v54 =	vld [tilespmem:s12+$0x50];
	[tilespmem:s12+$0xFFFFFFE0] =	vst v1;
	v1 =	vmul.f32 v49, v28  }
0x154: {  	v55 =	vld [tilespmem:s12+$0x60];
	[tilespmem:s12+$0xFFFFFFF0] =	vst v3;
	v3 =	vmul.f32 v50, v28  }
0x155: {  	v56 =	vld [tilespmem:s12+$0x70];
	[tilespmem:s12+$0x0] =	vst v1;
	v1 =	vmul.f32 v51, v28  }
0x156: {  	v57 =	vld [tilespmem:s12+$0x80];
	[tilespmem:s12+$0x10] =	vst v3;
	v3 =	vmul.f32 v52, v28  }
0x157: {  	v58 =	vld [tilespmem:s12+$0x90];
	[tilespmem:s12+$0x20] =	vst v1;
	v1 =	vmul.f32 v53, v28  }
0x158: {  	v59 =	vld [tilespmem:s12+$0xA0];
	[tilespmem:s12+$0x30] =	vst v3;
	v3 =	vmul.f32 v54, v28  }
0x159: {  	v60 =	vld [tilespmem:s12+$0xB0];
	[tilespmem:s12+$0x40] =	vst v1;
	v1 =	vmul.f32 v55, v28  }
0x15a: {  	v61 =	vld [tilespmem:s12+$0xC0];
	[tilespmem:s12+$0x50] =	vst v3;
	v3 =	vmul.f32 v56, v28  }
0x15b: {  	v62 =	vld [tilespmem:s12+$0xD0];
	[tilespmem:s12+$0x60] =	vst v1;
	v1 =	vmul.f32 v57, v2  }
0x15c: {  	v63 =	vld [tilespmem:s12+$0xE0];
	[tilespmem:s12+$0x70] =	vst v3;
	v3 =	vmul.f32 v58, v2  }
0x15d: {  	[tilespmem:s12+$0x80] =	vst v1;
	v1 =	vmul.f32 v59, v2  }
0x15e: {  	[tilespmem:s12+$0x90] =	vst v3;
	v3 =	vmul.f32 v60, v2  }
0x15f: {  	[tilespmem:s12+$0xA0] =	vst v1;
	v1 =	vmul.f32 v61, v2  }
0x160: {  	[tilespmem:s12+$0xB0] =	vst v3;
	v3 =	vmul.f32 v62, v2  }
0x161: {  	s8 =	sadd.s32 $0x1, s8;
	[tilespmem:s12+$0xC0] =	vst v1;
	v1 =	vmul.f32 v63, v2  }
0x162: {  	p1 =	sne.s32 s8, $0x1A;
	[tilespmem:s12+$0xD0] =	vst v3  }
.Ltmp3:
0x163: {  	s9 =	sadd.s32 $0x1C00, s9;
	[tilespmem:s12+$0xE0] =	vst v1;
	(pc) =	sbr.rel @p1 .LBB2_4-.Ltmp3, $4  }
0x164: {  	[spmem:s5] =	stream.indirect.scatter.add.f32 [tilespmem:s29], [sflag:$0x3], $0x80, s9, s28, $0xb8;
	[tilespmem:$0x1F400] =	vst v63  }
0x165: {  	_ =	swait.ge [sflag:s25], $0x3000  }
0x166: {  	[sflag:s25] =	ssyncset.done $0x0  }
0x167: {  	[sflag:s25] =	ssyncadd.s32 $0xFFFFD000  }
0x168: {  	s3 =	simm.s32 $0x0  }
0x169: {  	s12 =	simm.s32 $0x3;
	v1 =	vmov s3  }
0x16a: {  	v2 =	vmov s12;
	v1 =	vand.u32 $0x7C, v1  }
0x16b: {  	v2 =	vand.u32 $0x7F, v2;
	v1 =	vor.u32 $0x1A00, v1  }
0x16c: {  	v2 =	vor.u32 $0x1A00, v2;
	v1 =	vbroadcast v1, $0x0  }
0x16d: {  	_ =	swait.ge [sflag:s30], $0x3000;
	v2 =	vbroadcast v2, $0x0  }
0x16e: {  	[sflag:s30] =	ssyncset.done $0x0  }
0x16f: {  	s3 =	simm.s32 $0x5500;
	[sflag:s30] =	ssyncadd.s32 $0xFFFFD000  }
0x170: {  	v5 =	vld [tilespmem:s3+$0xFFFFFF00]  }
0x171: {  	s8 =	simm.s32 $0x1;
	v6 =	vld [tilespmem:s3+$0xFFFFFF10]  }
0x172: {  	v4 =	vmov s8;
	v3 =	vld.idx.msk [tilespmem:v1+s26+$0x0], $0xffff  }
0x173: {  	v1 =	vld.idx.msk [tilespmem:v2+s26+$0x0], $0xffff;
	v2 =	vand.u32 $0x7D, v4  }
0x174: {  	v7 =	vld [tilespmem:s3+$0xFFFFFF20];
	v2 =	vor.u32 $0x1A00, v2  }
0x175: {  	v4 =	vld [tilespmem:s3+$0xF0];
	v2 =	vbroadcast v2, $0x0  }
0x176: {  	v8 =	vld [tilespmem:s3+$0xFFFFFF30]  }
0x177: {  	v9 =	vld [tilespmem:s3+$0xFFFFFF40]  }
0x178: {  	v10 =	vld [tilespmem:s3+$0xFFFFFF50];
	v5 =	vmul.f32 v5, v3  }
0x179: {  	v11 =	vld [tilespmem:s3+$0xFFFFFF60]  }
0x17a: {  	s14 =	simm.s32 $0x2;
	v4 =	vmul.f32 v4, v1;
	[tilespmem:s3+$0xFFFFFF00] =	vst v5;
	v5 =	vld [tilespmem:s3+$0xFFFFFF70]  }
0x17b: {  	v12 =	vmov s14;
	v6 =	vmul.f32 v6, v3;
	v13 =	vld.idx.msk [tilespmem:v2+s26+$0x0], $0xffff  }
0x17c: {  	[tilespmem:s3+$0xF0] =	vst v4;
	v4 =	vmul.f32 v7, v3;
	v2 =	vand.u32 $0x7E, v12;
	v12 =	vld [tilespmem:s3+$0xFFFFFF80]  }
0x17d: {  	v7 =	vld [tilespmem:s3+$0xFFFFFF90];
	[tilespmem:s3+$0xFFFFFF10] =	vst v6;
	v6 =	vmul.f32 v8, v3;
	v2 =	vor.u32 $0x1A00, v2  }
0x17e: {  	v8 =	vld [tilespmem:s3+$0xFFFFFFA0];
	[tilespmem:s3+$0xFFFFFF20] =	vst v4;
	v4 =	vmul.f32 v9, v3;
	v2 =	vbroadcast v2, $0x0  }
0x17f: {  	v9 =	vld [tilespmem:s3+$0xFFFFFFB0];
	[tilespmem:s3+$0xFFFFFF30] =	vst v6;
	v6 =	vmul.f32 v10, v3  }
0x180: {  	v11 =	vmul.f32 v11, v3;
	v10 =	vld [tilespmem:s3+$0xFFFFFFC0];
	[tilespmem:s3+$0xFFFFFF40] =	vst v4;
	v3 =	vmul.f32 v5, v3  }
0x181: {  	[tilespmem:s3+$0xFFFFFF50] =	vst v6;
	v6 =	vld [tilespmem:s3+$0xFFFFFFE0];
	v4 =	vmul.f32 v12, v13  }
0x182: {  	v12 =	vld [tilespmem:s3+$0xFFFFFFD0];
	[tilespmem:s3+$0xFFFFFF70] =	vst v3  }
0x183: {  	v3 =	vmul.f32 v8, v13;
	[tilespmem:s3+$0xFFFFFF80] =	vst v4;
	v4 =	vmul.f32 v7, v13;
	v7 =	vld [tilespmem:s3+$0x0]  }
0x184: {  	[tilespmem:s3+$0xFFFFFF60] =	vst v11;
	v2 =	vld.idx.msk [tilespmem:v2+s26+$0x0], $0xffff  }
0x185: {  	v5 =	vld [tilespmem:s3+$0xFFFFFFF0];
	[tilespmem:s3+$0xFFFFFFA0] =	vst v3;
	v3 =	vmul.f32 v10, v13  }
0x186: {  	v8 =	vld [tilespmem:s3+$0x10];
	[tilespmem:s3+$0xFFFFFF90] =	vst v4;
	v4 =	vmul.f32 v9, v13  }
0x187: {  	s15 =	simm.s32 $0x4;
	v6 =	vmul.f32 v6, v13;
	v9 =	vld [tilespmem:s3+$0x20];
	[tilespmem:s3+$0xFFFFFFC0] =	vst v3  }
0x188: {  	v11 =	vmov s15;
	v10 =	vld [tilespmem:s3+$0x30];
	[tilespmem:s3+$0xFFFFFFB0] =	vst v4;
	v4 =	vmul.f32 v12, v13  }
0x189: {  	v11 =	vand.u32 $0x7C, v11;
	v3 =	vld [tilespmem:s3+$0x40];
	[tilespmem:s3+$0xFFFFFFE0] =	vst v6;
	v7 =	vmul.f32 v7, v2  }
0x18a: {  	s16 =	simm.s32 $0x5;
	s18 =	simm.s32 $0x6;
	v6 =	vor.u32 $0x1A00, v11;
	v12 =	vmul.f32 v5, v13;
	[tilespmem:s3+$0xFFFFFFD0] =	vst v4;
	v4 =	vld [tilespmem:s3+$0x50]  }
0x18b: {  	v13 =	vmov s16;
	v5 =	vld [tilespmem:s3+$0x60];
	v8 =	vmul.f32 v8, v2;
	[tilespmem:s3+$0x0] =	vst v7;
	v7 =	vmov s18  }
0x18c: {  	[tilespmem:s3+$0xFFFFFFF0] =	vst v12;
	v12 =	vand.u32 $0x7D, v13;
	v9 =	vmul.f32 v9, v2;
	v11 =	vand.u32 $0x7E, v7;
	v7 =	vld [tilespmem:s3+$0x70]  }
0x18d: {  	s10 =	simm.s32 $0x7;
	s9 =	simm.s32 $0x8;
	s8 =	simm.s32 $0x5500;
	v6 =	vbroadcast v6, $0x0;
	v10 =	vmul.f32 v10, v2;
	v12 =	vor.u32 $0x1A00, v12;
	[tilespmem:s3+$0x10] =	vst v8;
	v8 =	vld [tilespmem:s3+$0x80]  }
.LBB2_10:
0x18e: {  	p1 =	slt.u32 s9, $0x5C;
	v11 =	vor.u32 $0x1A00, v11;
	v13 =	vmov s10;
	[tilespmem:s3+$0x20] =	vst v9;
	v3 =	vmul.f32 v3, v2;
	v9 =	vld [tilespmem:s3+$0x90]  }
0x18f: {  	v12 =	vbroadcast v12, $0x0;
	v13 =	vand.u32 $0x7F, v13;
	[tilespmem:s3+$0x30] =	vst v10;
	v4 =	vmul.f32 v4, v2;
	v10 =	vld [tilespmem:s3+$0xA0]  }
0x190: {  	v11 =	vbroadcast v11, $0x0;
	v13 =	vor.u32 $0x1A00, v13;
	[tilespmem:s3+$0x40] =	vst v3;
	v3 =	vmul.f32 v5, v2;
	v5 =	vld [tilespmem:s3+$0xB0]  }
0x191: {  	v13 =	vbroadcast v13, $0x0;
	[tilespmem:s3+$0x50] =	vst v4;
	v2 =	vmul.f32 v7, v2;
	v4 =	vld [tilespmem:s3+$0xC0]  }
0x192: {  	[tilespmem:s3+$0x60] =	vst v3;
	v3 =	vmul.f32 v8, v1;
	v7 =	vld [tilespmem:s3+$0xD0]  }
0x193: {  	[tilespmem:s3+$0x70] =	vst v2;
	v2 =	vmul.f32 v9, v1;
	v8 =	vld [tilespmem:s3+$0xE0]  }
0x194: {  	v6 =	vld.idx.msk [tilespmem:v6+s26+$0x0], $0xffff;
	[tilespmem:s3+$0x80] =	vst v3;
	v3 =	vmul.f32 v10, v1  }
0x195: {  	v9 =	vld.idx.msk [tilespmem:v12+s26+$0x0], $0xffff;
	[tilespmem:s3+$0x90] =	vst v2;
	v5 =	vmul.f32 v5, v1  }
0x196: {  	v2 =	vld.idx.msk [tilespmem:v11+s26+$0x0], $0xffff;
	[tilespmem:s3+$0xA0] =	vst v3;
	v3 =	vmul.f32 v4, v1  }
0x197: {  	s3 =	sadd.s32 $0x200, s3;
	v4 =	vld.idx.msk [tilespmem:v13+s26+$0x0], $0xffff;
	[tilespmem:s8+$0xB0] =	vst v5;
	v5 =	vmul.f32 v7, v1  }
0x198: {  	v7 =	vld [tilespmem:s3+$0xF0];
	[tilespmem:s8+$0xC0] =	vst v3;
	v1 =	vmul.f32 v8, v1  }
0x199: {  	v3 =	vld [tilespmem:s3+$0xFFFFFF00];
	[tilespmem:s8+$0xD0] =	vst v5  }
0x19a: {  	v5 =	vld [tilespmem:s3+$0xFFFFFF10];
	[tilespmem:s8+$0xE0] =	vst v1;
	s8 =	smov.u32 s3  }
0x19b: {  	v8 =	vld [tilespmem:s3+$0xFFFFFF20]  }
0x19c: {  	v10 =	vld [tilespmem:s3+$0xFFFFFF30]  }
0x19d: {  	v1 =	vmov v4;
	v11 =	vld [tilespmem:s3+$0xFFFFFF40];
	v7 =	vmul.f32 v7, v4  }
0x19e: {  	v3 =	vmul.f32 v3, v6;
	v4 =	vld [tilespmem:s3+$0xFFFFFF50]  }
0x19f: {  	v5 =	vmul.f32 v5, v6;
	v12 =	vld [tilespmem:s3+$0xFFFFFF60];
	[tilespmem:s3+$0xF0] =	vst v7  }
0x1a0: {  	[tilespmem:s3+$0xFFFFFF00] =	vst v3;
	v3 =	vmul.f32 v8, v6;
	v7 =	vld [tilespmem:s3+$0xFFFFFF70]  }
0x1a1: {  	[tilespmem:s3+$0xFFFFFF10] =	vst v5;
	v5 =	vmul.f32 v10, v6;
	v8 =	vld [tilespmem:s3+$0xFFFFFF80]  }
0x1a2: {  	[tilespmem:s3+$0xFFFFFF20] =	vst v3;
	v3 =	vmul.f32 v11, v6;
	v10 =	vld [tilespmem:s3+$0xFFFFFF90]  }
0x1a3: {  	[tilespmem:s3+$0xFFFFFF30] =	vst v5;
	v4 =	vmul.f32 v4, v6;
	v5 =	vld [tilespmem:s3+$0xFFFFFFA0]  }
0x1a4: {  	[tilespmem:s3+$0xFFFFFF40] =	vst v3;
	v3 =	vmul.f32 v12, v6;
	v11 =	vld [tilespmem:s3+$0xFFFFFFB0]  }
0x1a5: {  	[tilespmem:s3+$0xFFFFFF50] =	vst v4;
	v4 =	vmul.f32 v7, v6;
	v6 =	vld [tilespmem:s3+$0xFFFFFFC0]  }
0x1a6: {  	[tilespmem:s3+$0xFFFFFF60] =	vst v3;
	v3 =	vmul.f32 v8, v9;
	v7 =	vld [tilespmem:s3+$0xFFFFFFD0]  }
0x1a7: {  	[tilespmem:s3+$0xFFFFFF70] =	vst v4;
	v4 =	vmul.f32 v10, v9;
	v8 =	vld [tilespmem:s3+$0xFFFFFFE0]  }
0x1a8: {  	[tilespmem:s3+$0xFFFFFF80] =	vst v3;
	v3 =	vmul.f32 v5, v9;
	v5 =	vld [tilespmem:s3+$0xFFFFFFF0]  }
0x1a9: {  	[tilespmem:s3+$0xFFFFFF90] =	vst v4;
	v4 =	vmul.f32 v11, v9;
	v10 =	vld [tilespmem:s3+$0x0]  }
0x1aa: {  	[tilespmem:s3+$0xFFFFFFA0] =	vst v3;
	v3 =	vmul.f32 v6, v9;
	v6 =	vld [tilespmem:s3+$0x10]  }
0x1ab: {  	[tilespmem:s3+$0xFFFFFFB0] =	vst v4;
	v4 =	vmul.f32 v7, v9;
	v7 =	vld [tilespmem:s3+$0x20]  }
0x1ac: {  	[tilespmem:s3+$0xFFFFFFC0] =	vst v3;
	v8 =	vmul.f32 v8, v9;
	v13 =	vld [tilespmem:s3+$0x30]  }
.Ltmp4:
0x1ad: {  	s10 =	sadd.s32 $0x1, s9;
	v11 =	vmov s9;
	[tilespmem:s3+$0xFFFFFFD0] =	vst v4;
	v5 =	vmul.f32 v5, v9;
	v3 =	vld [tilespmem:s3+$0x40];
	(pc) =	sbr.rel @p1 .LBB2_10-.Ltmp4, $4  }
0x1ae: {  	v9 =	vand.u32 $0x7C, v11;
	v11 =	vmov s10;
	s10 =	sadd.s32 $0x2, s9;
	[tilespmem:s3+$0xFFFFFFE0] =	vst v8;
	v8 =	vmul.f32 v10, v2;
	v4 =	vld [tilespmem:s3+$0x50]  }
0x1af: {  	v10 =	vor.u32 $0x1A00, v9;
	v9 =	vmov s10;
	[tilespmem:s3+$0xFFFFFFF0] =	vst v5;
	v14 =	vmul.f32 v6, v2;
	v5 =	vld [tilespmem:s3+$0x60]  }
0x1b0: {  	v12 =	vand.u32 $0x7D, v11;
	v11 =	vand.u32 $0x7E, v9;
	[tilespmem:s3+$0x0] =	vst v8;
	v9 =	vmul.f32 v7, v2;
	v7 =	vld [tilespmem:s3+$0x70]  }
0x1b1: {  	s10 =	sadd.s32 $0x3, s9;
	s9 =	sadd.s32 $0x4, s9;
	v6 =	vbroadcast v10, $0x0;
	v12 =	vor.u32 $0x1A00, v12;
	[tilespmem:s3+$0x10] =	vst v14;
	v10 =	vmul.f32 v13, v2;
	v8 =	vld [tilespmem:s3+$0x80]  }
0x1b2: {  	v14 =	vld [tilespmem:s3+$0x90]  }
0x1b3: {  	v15 =	vld [tilespmem:s3+$0xA0]  }
0x1b4: {  	v16 =	vld [tilespmem:s3+$0xB0]  }
0x1b5: {  	v17 =	vld [tilespmem:s3+$0xC0];
	v3 =	vmul.f32 v3, v2  }
0x1b6: {  	v13 =	vmov s10;
	[tilespmem:s3+$0x20] =	vst v9;
	v32 =	vld [tilespmem:s3+$0xD0]  }
0x1b7: {  	v33 =	vld [tilespmem:s3+$0xE0];
	v13 =	vand.u32 $0x7F, v13;
	[tilespmem:s3+$0x40] =	vst v3;
	v3 =	vmul.f32 v5, v2  }
0x1b8: {  	s9 =	sadd.s32 $0x200, s3;
	[tilespmem:s3+$0x30] =	vst v10;
	v4 =	vmul.f32 v4, v2;
	v34 =	vld.idx.msk [tilespmem:v6+s26+$0x0], $0xffff;
	v13 =	vor.u32 $0x1A00, v13;
	v2 =	vmul.f32 v7, v2  }
0x1b9: {  	v38 =	vld [tilespmem:s9+$0xF0];
	v13 =	vbroadcast v13, $0x0;
	[tilespmem:s3+$0x60] =	vst v3;
	v3 =	vmul.f32 v8, v1  }
0x1ba: {  	v39 =	vld [tilespmem:s9+$0xFFFFFF00];
	[tilespmem:s3+$0x70] =	vst v2;
	v2 =	vmul.f32 v14, v1  }
0x1bb: {  	v40 =	vld [tilespmem:s9+$0xFFFFFF10];
	[tilespmem:s3+$0x80] =	vst v3;
	v3 =	vmul.f32 v15, v1  }
0x1bc: {  	v41 =	vld [tilespmem:s9+$0xFFFFFF20];
	[tilespmem:s3+$0x90] =	vst v2;
	v2 =	vmul.f32 v16, v1  }
0x1bd: {  	v42 =	vld [tilespmem:s9+$0xFFFFFF50];
	[tilespmem:s3+$0xA0] =	vst v3;
	v3 =	vmul.f32 v17, v1  }
0x1be: {  	v44 =	vld [tilespmem:s9+$0xFFFFFF60];
	[tilespmem:s8+$0xB0] =	vst v2;
	v2 =	vmul.f32 v32, v1  }
0x1bf: {  	v12 =	vbroadcast v12, $0x0;
	v37 =	vld.idx.msk [tilespmem:v13+s26+$0x0], $0xffff;
	v1 =	vmul.f32 v33, v1;
	[tilespmem:s8+$0xC0] =	vst v3  }
0x1c0: {  	v3 =	vld [tilespmem:s9+$0xFFFFFF30];
	[tilespmem:s8+$0xD0] =	vst v2  }
0x1c1: {  	v2 =	vld [tilespmem:s9+$0xFFFFFF40];
	[tilespmem:s8+$0xE0] =	vst v1;
	v1 =	vmul.f32 v39, v34  }
0x1c2: {  	v45 =	vld [tilespmem:s9+$0xFFFFFF70];
	[tilespmem:s3+$0x50] =	vst v4;
	v43 =	vmul.f32 v40, v34  }
0x1c3: {  	v46 =	vld [tilespmem:s9+$0xFFFFFF80];
	[tilespmem:s9+$0xFFFFFF00] =	vst v1;
	v1 =	vmul.f32 v41, v34  }
0x1c4: {  	v47 =	vld [tilespmem:s9+$0xFFFFFFA0];
	[tilespmem:s9+$0xFFFFFF10] =	vst v43;
	v8 =	vmul.f32 v38, v37  }
0x1c5: {  	v35 =	vld.idx.msk [tilespmem:v12+s26+$0x0], $0xffff;
	v3 =	vmul.f32 v3, v34;
	[tilespmem:s9+$0xFFFFFF20] =	vst v1  }
0x1c6: {  	v11 =	vor.u32 $0x1A00, v11;
	[tilespmem:s9+$0xF0] =	vst v8;
	v1 =	vmul.f32 v2, v34;
	v2 =	vld [tilespmem:s9+$0xFFFFFF90]  }
0x1c7: {  	v11 =	vbroadcast v11, $0x0;
	v48 =	vld [tilespmem:s9+$0xFFFFFFB0];
	[tilespmem:s9+$0xFFFFFF30] =	vst v3;
	v3 =	vmul.f32 v42, v34  }
0x1c8: {  	v49 =	vld [tilespmem:s9+$0xFFFFFFC0];
	[tilespmem:s9+$0xFFFFFF40] =	vst v1;
	v1 =	vmul.f32 v44, v34  }
0x1c9: {  	v50 =	vld [tilespmem:s9+$0xFFFFFFD0];
	[tilespmem:s9+$0xFFFFFF50] =	vst v3;
	v3 =	vmul.f32 v45, v34  }
0x1ca: {  	v51 =	vld [tilespmem:s9+$0xFFFFFFF0];
	[tilespmem:s9+$0xFFFFFF60] =	vst v1;
	v1 =	vmul.f32 v46, v35  }
0x1cb: {  	[tilespmem:s9+$0xFFFFFF70] =	vst v3;
	v2 =	vmul.f32 v2, v35;
	v3 =	vld [tilespmem:s9+$0xFFFFFFE0]  }
0x1cc: {  	v52 =	vld [tilespmem:s9+$0x0];
	[tilespmem:s9+$0xFFFFFF80] =	vst v1;
	v1 =	vmul.f32 v47, v35  }
0x1cd: {  	v36 =	vld.idx.msk [tilespmem:v11+s26+$0x0], $0xffff;
	[tilespmem:s9+$0xFFFFFF90] =	vst v2;
	v2 =	vmul.f32 v48, v35  }
0x1ce: {  	v53 =	vld [tilespmem:s9+$0x10];
	[tilespmem:s9+$0xFFFFFFA0] =	vst v1;
	v1 =	vmul.f32 v49, v35  }
0x1cf: {  	v54 =	vld [tilespmem:s9+$0x20];
	[tilespmem:s9+$0xFFFFFFB0] =	vst v2;
	v2 =	vmul.f32 v50, v35  }
0x1d0: {  	[tilespmem:s9+$0xFFFFFFC0] =	vst v1;
	v1 =	vmul.f32 v3, v35;
	v3 =	vld [tilespmem:s9+$0x30]  }
0x1d1: {  	v55 =	vld [tilespmem:s9+$0x40];
	[tilespmem:s9+$0xFFFFFFD0] =	vst v2;
	v2 =	vmul.f32 v51, v35  }
0x1d2: {  	v56 =	vld [tilespmem:s9+$0x50];
	[tilespmem:s9+$0xFFFFFFE0] =	vst v1;
	v1 =	vmul.f32 v52, v36  }
0x1d3: {  	v57 =	vld [tilespmem:s9+$0x60];
	[tilespmem:s9+$0xFFFFFFF0] =	vst v2;
	v2 =	vmul.f32 v53, v36  }
0x1d4: {  	v58 =	vld [tilespmem:s9+$0x70];
	[tilespmem:s9+$0x0] =	vst v1;
	v1 =	vmul.f32 v54, v36  }
0x1d5: {  	[tilespmem:s9+$0x10] =	vst v2;
	v2 =	vmul.f32 v3, v36;
	v3 =	vld [tilespmem:s9+$0x80]  }
0x1d6: {  	v59 =	vld [tilespmem:s9+$0x90];
	[tilespmem:s9+$0x20] =	vst v1;
	v1 =	vmul.f32 v55, v36  }
0x1d7: {  	v60 =	vld [tilespmem:s9+$0xA0];
	[tilespmem:s9+$0x30] =	vst v2;
	v2 =	vmul.f32 v56, v36  }
0x1d8: {  	v61 =	vld [tilespmem:s9+$0xB0];
	[tilespmem:s9+$0x40] =	vst v1;
	v1 =	vmul.f32 v57, v36  }
0x1d9: {  	v62 =	vld [tilespmem:s9+$0xC0];
	[tilespmem:s9+$0x50] =	vst v2;
	v2 =	vmul.f32 v58, v36  }
0x1da: {  	[tilespmem:s9+$0x60] =	vst v1;
	v1 =	vmul.f32 v3, v37;
	v3 =	vld [tilespmem:s9+$0xD0]  }
0x1db: {  	v63 =	vld [tilespmem:s9+$0xE0];
	[tilespmem:s9+$0x70] =	vst v2;
	v2 =	vmul.f32 v59, v37  }
0x1dc: {  	[tilespmem:s9+$0x80] =	vst v1;
	v1 =	vmul.f32 v60, v37  }
0x1dd: {  	[tilespmem:s9+$0x90] =	vst v2;
	v2 =	vmul.f32 v61, v37  }
0x1de: {  	[tilespmem:s9+$0xA0] =	vst v1;
	v1 =	vmul.f32 v62, v37  }
0x1df: {  	[tilespmem:s9+$0xB0] =	vst v2;
	v2 =	vmul.f32 v3, v37  }
0x1e0: {  	[tilespmem:s9+$0xC0] =	vst v1;
	v1 =	vmul.f32 v63, v37  }
0x1e1: {  	[tilespmem:s9+$0xD0] =	vst v2  }
0x1e2: {  	s0 =	simm.s32 $0x3600;
	[tilespmem:s9+$0xE0] =	vst v1  }
0x1e3: {  	[spmem:s5] =	stream.indirect.scatter.add.f32 [tilespmem:s24], [sflag:$0x3], $0x80, s0, s28, $0xb8;
	[tilespmem:$0x1F400] =	vst v63  }
0x1e4: {  	_ =	swait.ge [sflag:s25], $0x3000  }
0x1e5: {  	s0 =	stileid.u32;
	[sflag:s25] =	ssyncset.done $0x0  }
0x1e6: {  	s8 =	sadd.s32 @p0 s4, s21;
	s3 =	sshll.u32 @p0 s0, $0x6;
	[sflag:s25] =	ssyncadd.s32 $0xFFFFD000  }
0x1e7: {  	s9 =	sor.u32 @p0 $0x1C03, s3;
	s3 =	sshrl.u32 @p0 s7, $0x3;
	[bflag:$0x0] =	sbarrier.arrive $0xFFFF  }
0x1e8: {  	[hbm:s8], [sflag:s9] =	dma.local @p0 [spmem:s3], $0x400  }
0x1e9: {  	s8 =	simm.s32 @p0 $0x3  }
0x1ea: {  	_ =	swait.ge @p0 [sflag:s8], $0x400  }
0x1eb: {  	s10 =	sadd.s32 @!p0 s2, s21;
	s3 =	sshll.u32 @!p0 s0, $0x6;
	[sflag:s8] =	ssyncset.done @p0 $0x0  }
0x1ec: {  	s11 =	sor.u32 @!p0 $0x1C04, s3;
	s3 =	sshrl.u32 @!p0 s7, $0x3;
	[sflag:s8] =	ssyncadd.s32 @p0 $0xFFFFFC00  }
0x1ed: {  	[hbm:s10], [sflag:s11] =	dma.local @!p0 [spmem:s3], $0x400  }
0x1ee: {  	s12 =	smov.u32 s2;
	s10 =	simm.s32 @!p0 $0x4  }
0x1ef: {  	s12 =	smov.u32 @p0 s4;
	s3 =	simm.s32 @!p0 $0x4;
	_ =	swait.ge @!p0 [sflag:s10], $0x400  }
0x1f0: {  	s15 =	sshll.u32 s0, $0x6;
	s3 =	simm.s32 @p0 $0x3;
	s18 =	rddreg [dreg:$0xa]  }
0x1f1: {  	[sflag:s10] =	ssyncset.done @!p0 $0x0;
	s15 =	sadd.s32 s3, s15;
	s14 =	rddreg [dreg:$0x12]  }
0x1f2: {  	[sflag:s10] =	ssyncadd.s32 @!p0 $0xFFFFFC00;
	s18 =	sadd.s32 s12, s18;
	s15 =	sadd.s32 $0x1C00, s15  }
0x1f3: {  	[hbm:s18], [sflag:s15] =	dma.local [spmem:s14], $0x400  }
0x1f4: {  	_ =	swait.ge [sflag:s3], $0x400  }
0x1f5: {  	s16 =	rddreg [dreg:$0xc]  }
0x1f6: {  	[sflag:s3] =	ssyncset.done $0x0;
	s14 =	rddreg [dreg:$0xb]  }
0x1f7: {  	[sflag:s3] =	ssyncadd.s32 $0xFFFFFC00;
	s18 =	sadd.s32 @p0 s4, s16;
	s0 =	sshrl.u32 @p0 s14, $0x3  }
0x1f8: {  	[hbm:s18], [sflag:s9] =	dma.local @p0 [spmem:s0], $0x400  }
0x1f9: {  	_ =	swait.ge @p0 [sflag:s8], $0x400  }
0x1fa: {  	[sflag:s8] =	ssyncset.done @p0 $0x0  }
0x1fb: {  	s0 =	sadd.s32 @!p0 s2, s16;
	s18 =	sshrl.u32 @!p0 s14, $0x3;
	[sflag:s8] =	ssyncadd.s32 @p0 $0xFFFFFC00  }
0x1fc: {  	[hbm:s0], [sflag:s11] =	dma.local @!p0 [spmem:s18], $0x400  }
0x1fd: {  	_ =	swait.ge @!p0 [sflag:s10], $0x400  }
0x1fe: {  	[sflag:s10] =	ssyncset.done @!p0 $0x0;
	s16 =	rddreg [dreg:$0xd]  }
0x1ff: {  	s18 =	rddreg [dreg:$0x13];
	[sflag:s10] =	ssyncadd.s32 @!p0 $0xFFFFFC00;
	s0 =	sadd.s32 s12, s16  }
0x200: {  	[hbm:s0], [sflag:s15] =	dma.local [spmem:s18], $0x400  }
0x201: {  	_ =	swait.ge [sflag:s3], $0x400  }
0x202: {  	[sflag:s3] =	ssyncset.done $0x0;
	s14 =	rddreg [dreg:$0xe]  }
0x203: {  	s0 =	sadd.s32 @p0 s4, s17;
	[sflag:s3] =	ssyncadd.s32 $0xFFFFFC00;
	s18 =	sshrl.u32 @p0 s14, $0x3  }
0x204: {  	[hbm:s0], [sflag:s9] =	dma.local @p0 [spmem:s18], $0x400  }
0x205: {  	_ =	swait.ge @p0 [sflag:s8], $0x400  }
0x206: {  	[sflag:s8] =	ssyncset.done @p0 $0x0  }
0x207: {  	s0 =	sadd.s32 @!p0 s2, s17;
	s18 =	sshrl.u32 @!p0 s14, $0x3;
	[sflag:s8] =	ssyncadd.s32 @p0 $0xFFFFFC00  }
0x208: {  	[hbm:s0], [sflag:s11] =	dma.local @!p0 [spmem:s18], $0x400  }
0x209: {  	_ =	swait.ge @!p0 [sflag:s10], $0x400  }
0x20a: {  	[sflag:s10] =	ssyncset.done @!p0 $0x0;
	s16 =	rddreg [dreg:$0xf]  }
0x20b: {  	s18 =	rddreg [dreg:$0x14];
	[sflag:s10] =	ssyncadd.s32 @!p0 $0xFFFFFC00;
	s0 =	sadd.s32 s12, s16  }
0x20c: {  	[hbm:s0], [sflag:s15] =	dma.local [spmem:s18], $0x400  }
0x20d: {  	_ =	swait.ge [sflag:s3], $0x400  }
0x20e: {  	[sflag:s3] =	ssyncset.done $0x0  }
0x20f: {  	s0 =	sadd.s32 @p0 s4, s20;
	s18 =	sshrl.u32 @p0 s19, $0x3;
	[sflag:s3] =	ssyncadd.s32 $0xFFFFFC00  }
0x210: {  	[hbm:s0], [sflag:s9] =	dma.local @p0 [spmem:s18], $0x400  }
0x211: {  	_ =	swait.ge @p0 [sflag:s8], $0x400  }
0x212: {  	[sflag:s8] =	ssyncset.done @p0 $0x0  }
0x213: {  	s0 =	sadd.s32 @!p0 s2, s20;
	s18 =	sshrl.u32 @!p0 s19, $0x3;
	[sflag:s8] =	ssyncadd.s32 @p0 $0xFFFFFC00  }
0x214: {  	[hbm:s0], [sflag:s11] =	dma.local @!p0 [spmem:s18], $0x400  }
0x215: {  	_ =	swait.ge @!p0 [sflag:s10], $0x400  }
0x216: {  	[sflag:s10] =	ssyncset.done @!p0 $0x0;
	s16 =	rddreg [dreg:$0x10]  }
0x217: {  	s18 =	rddreg [dreg:$0x15];
	[sflag:s10] =	ssyncadd.s32 @!p0 $0xFFFFFC00;
	s0 =	sadd.s32 s12, s16  }
0x218: {  	[hbm:s0], [sflag:s15] =	dma.local [spmem:s18], $0x400  }
0x219: {  	_ =	swait.ge [sflag:s3], $0x400  }
0x21a: {  	[sflag:s3] =	ssyncset.done $0x0  }
0x21b: {  	s0 =	sadd.s32 @p0 s4, s23;
	s18 =	sshrl.u32 @p0 s22, $0x3;
	[sflag:s3] =	ssyncadd.s32 $0xFFFFFC00  }
0x21c: {  	[hbm:s0], [sflag:s9] =	dma.local @p0 [spmem:s18], $0x400  }
0x21d: {  	_ =	swait.ge @p0 [sflag:s8], $0x400  }
0x21e: {  	[sflag:s8] =	ssyncset.done @p0 $0x0  }
0x21f: {  	s0 =	sadd.s32 @!p0 s2, s23;
	[sflag:s8] =	ssyncadd.s32 @p0 $0xFFFFFC00;
	s8 =	sshrl.u32 @!p0 s22, $0x3  }
0x220: {  	[hbm:s0], [sflag:s11] =	dma.local @!p0 [spmem:s8], $0x400  }
0x221: {  	_ =	swait.ge @!p0 [sflag:s10], $0x400  }
0x222: {  	[sflag:s10] =	ssyncset.done @!p0 $0x0;
	s14 =	rddreg [dreg:$0x11]  }
0x223: {  	s16 =	rddreg [dreg:$0x16];
	[sflag:s10] =	ssyncadd.s32 @!p0 $0xFFFFFC00;
	s0 =	sadd.s32 s12, s14  }
0x224: {  	[hbm:s0], [sflag:s15] =	dma.local [spmem:s16], $0x400  }
0x225: {  	_ =	swait.ge [sflag:s3], $0x400  }
0x226: {  	s6 =	sadd.s32 $0x1, s6;
	s18 =	rddreg [dreg:$0x9]  }
0x227: {  	p1 =	sne.s32 s6, s18  }
.Ltmp5:
0x228: {  	_ = 	snop;
	(pc) =	sbr.rel @p1 .LBB2_1-.Ltmp5, $3  }
0x229: {  	_ =	sdelay $0x1  }
0x22a: {  	[sflag:s3] =	ssyncset.done $0x0  }
0x22b: {  	[sflag:s3] =	ssyncadd.s32 $0xFFFFFC00  }
0x22c: {  	_ =	sfence.sel $0x180000  }
0x22d: {  	[bflag:$0x0] =	sbarrier.arrive $0xFFFF  }
0x22e: {  	_ =	strace $0x90000047  }
0x22f: {  	[bflag:$0x2] =	sbarrier.arrive $0xFFFF  }
0x230: {  	p0 =	sne.s32 s13, $0x0;
	s0 =	rddreg [dreg:$0x5]  }
0x231: {  	s0 =	sadd.s32 @!p0 $0x100000, s0  }
0x232: {  	[sflag:s0] =	ssyncadd.tile.s32 @!p0 $0x1;
	_ =	shalt  }
.Lfunc_end2:
_tile_overlayer_lowered:
.L_overlay_start_2:
0x233: {  	(tag) =	ssettag $0x2  }
0x234: {  	s0 =	rddreg [dreg:$0x0];
	s2 =	stileid.u32  }
0x235: {  	s1 =	rddreg [dreg:$0x1];
	p0 =	sne.s32 s2, $0x0  }
0x236: {  	s3 =	rddreg [dreg:$0x2];
	[bflag:$0x3] =	sbarrier.arrive $0xFFFF;
	s2 =	simm.s32 @!p0 $0x1C03  }
0x237: {  	[timem:s3], [sflag:s2] =	dma.local @!p0 [hbm:s0], s1  }
0x238: {  	s0 =	simm.s32 @!p0 $0x3  }
0x239: {  	_ =	swait.ge @!p0 [sflag:s0], s1  }
0x23a: {  	s1 =	ssub.s32 @!p0 $0x0, s1;
	[sflag:s0] =	ssyncset.done @!p0 $0x0  }
0x23b: {  	[sflag:s0] =	ssyncadd.s32 @!p0 s1  }
0x23c: {  	[bflag:$0x3] =	sbarrier.arrive $0xFFFF  }
0x23d: {  	_ =	shalt  }

</sc_bundles>
